<compile_context>
chip_gen: v7x
topology: tpu7x:2x2x1
jax: 0.10.2.dev20260603
libtpu: 0.0.44.dev20260713+nightly
codegen_flags: <defaults>
</compile_context>

<pallas_src>
import functools

import jax
import jax.numpy as jnp
from jax import lax
from jax.experimental import pallas as pl
from jax.experimental.pallas import tpu as pltpu
from jax.experimental.pallas import tpu_sc as plsc

NW = 32
CW = 80
NPAD = 10240

_MESH = plsc.VectorSubcoreMesh(core_axis_name="c", subcore_axis_name="s")




def _make_deg_kernel(NP, NCH):
    @functools.partial(
        pl.kernel,
        mesh=_MESH,
        out_type=jax.ShapeDtypeStruct((2, NP), jnp.float32),
        compiler_params=pltpu.CompilerParams(use_tc_tiling_on_sc=False),
        scratch_types=[
            pltpu.VMEM((NCH, CW), jnp.int32),
            pltpu.VMEM((CW,), jnp.float32),
            pltpu.VMEM_SHARED((NP,), jnp.float32),
            pltpu.SemaphoreType.DMA,
        ],
    )
    def deg_kernel(dst_hbm, zeros_hbm, out_hbm, idx_v, ones_v, acc, sem):
        cid = lax.axis_index("c")
        sid = lax.axis_index("s")
        wid = sid * 2 + cid
        rpw = NP // 16

        pltpu.sync_copy(zeros_hbm.at[pl.ds(sid * rpw, rpw)],
                        acc.at[pl.ds(sid * rpw, rpw)])

        for t in range(CW // 16):
            ones_v[pl.ds(t * 16, 16)] = jnp.ones((16,), jnp.float32)
        pltpu.sync_copy(dst_hbm.at[wid], idx_v)
        plsc.subcore_barrier()

        pltpu.async_copy(ones_v, acc.at[idx_v.at[0]], sem, add=True)

        def body(j, carry):
            pltpu.async_copy(ones_v, acc.at[idx_v.at[j]], sem, add=True)
            pltpu.make_async_copy(ones_v, acc.at[idx_v.at[j - 1]], sem).wait()
            return carry

        lax.fori_loop(1, NCH, body, 0)
        pltpu.make_async_copy(ones_v, acc.at[idx_v.at[NCH - 1]], sem).wait()
        plsc.subcore_barrier()

        pltpu.sync_copy(acc.at[pl.ds(sid * rpw, rpw)],
                        out_hbm.at[cid].at[pl.ds(sid * rpw, rpw)])

    return deg_kernel


def _make_agg_kernel(NP, NCH, D):
    @functools.partial(
        pl.kernel,
        mesh=_MESH,
        out_type=jax.ShapeDtypeStruct((2, NP, D), jnp.float32),
        compiler_params=pltpu.CompilerParams(use_tc_tiling_on_sc=False),
        scratch_types=[
            pltpu.VMEM((NCH, CW), jnp.int32),
            pltpu.VMEM((NCH, CW), jnp.int32),
            pltpu.VMEM((CW, D), jnp.float32),
            pltpu.VMEM((CW, D), jnp.float32),
            pltpu.VMEM_SHARED((NP, D), jnp.float32),
            pltpu.VMEM_SHARED((NP, D), jnp.float32),
            pltpu.SemaphoreType.DMA,
            pltpu.SemaphoreType.DMA,
        ],
    )
    def agg_kernel(tab_hbm, src_hbm, dst_hbm, zeros_hbm, out_hbm,
                   src_v, dst_v, rows_a, rows_b, acc, tab_spm, sem_a, sem_b):
        cid = lax.axis_index("c")
        sid = lax.axis_index("s")
        wid = sid * 2 + cid
        rpw = NP // 16

        pltpu.sync_copy(zeros_hbm.at[pl.ds(sid * rpw, rpw)],
                        acc.at[pl.ds(sid * rpw, rpw)])

        pltpu.sync_copy(tab_hbm.at[pl.ds(sid * rpw, rpw)],
                        tab_spm.at[pl.ds(sid * rpw, rpw)])
        pltpu.sync_copy(src_hbm.at[wid], src_v)
        pltpu.sync_copy(dst_hbm.at[wid], dst_v)
        plsc.subcore_barrier()

        pltpu.async_copy(tab_spm.at[src_v.at[0]], rows_a, sem_a)

        def body(g, carry):
            j0 = 2 * g
            j1 = j0 + 1
            pltpu.make_async_copy(tab_spm.at[src_v.at[j0]], rows_a, sem_a).wait()
            pltpu.async_copy(tab_spm.at[src_v.at[j1]], rows_b, sem_b)
            pltpu.sync_copy(rows_a, acc.at[dst_v.at[j0]], add=True)
            pltpu.make_async_copy(tab_spm.at[src_v.at[j1]], rows_b, sem_b).wait()
            pltpu.async_copy(tab_spm.at[src_v.at[j0 + 2]], rows_a, sem_a)
            pltpu.sync_copy(rows_b, acc.at[dst_v.at[j1]], add=True)
            return carry

        lax.fori_loop(0, (NCH - 1) // 2, body, 0)
        pltpu.make_async_copy(
            tab_spm.at[src_v.at[NCH - 1]], rows_a, sem_a).wait()
        pltpu.sync_copy(rows_a, acc.at[dst_v.at[NCH - 1]], add=True)
        plsc.subcore_barrier()

        pltpu.sync_copy(acc.at[pl.ds(sid * rpw, rpw)],
                        out_hbm.at[cid].at[pl.ds(sid * rpw, rpw)])

    return agg_kernel




def _mm1_body(x2_ref, w_ref, o_ref):
    o_ref[...] = jnp.dot(x2_ref[...], w_ref[...],
                         preferred_element_type=jnp.float32)


def _scale_body(degp2_ref, h_ref, m2_ref, o_ref):
    deg = degp2_ref[0] + degp2_ref[1] + 1.0
    dp = jnp.dot(lax.rsqrt(deg), m2_ref[...],
                 preferred_element_type=jnp.float32,
                 precision=lax.Precision.HIGHEST)
    o_ref[...] = h_ref[...] * dp


def _mid_body(degp4_ref, s_ref, hs_ref, b_ref, w_ref, m64_ref, m32_ref,
              o_ref):
    deg = degp4_ref[0] + degp4_ref[1] + 1.0
    dinv = lax.rsqrt(deg)
    d64 = jnp.dot(dinv, m64_ref[...], preferred_element_type=jnp.float32,
                  precision=lax.Precision.HIGHEST)
    pre = (s_ref[0] + s_ref[1] + hs_ref[...]) * d64 + b_ref[...]
    hmid = jnp.where(pre >= 0.0, pre, 0.01 * pre)
    h2 = jnp.dot(hmid, w_ref[...], preferred_element_type=jnp.float32)
    d32 = jnp.dot(dinv, m32_ref[...], preferred_element_type=jnp.float32,
                  precision=lax.Precision.HIGHEST)
    o_ref[...] = h2 * d32


def _final_body(degp4_ref, s_ref, hs_ref, b_ref, m32_ref, o_ref):
    deg = degp4_ref[0] + degp4_ref[1] + 1.0
    d32 = jnp.dot(lax.rsqrt(deg), m32_ref[...],
                  preferred_element_type=jnp.float32,
                  precision=lax.Precision.HIGHEST)
    pre = (s_ref[0] + s_ref[1] + hs_ref[...]) * d32 + b_ref[...]
    o_ref[...] = jnp.where(pre >= 0.0, pre, 0.01 * pre)




def kernel(x, edge_index, W1, b1, W2, b2):
    N, d_in = x.shape
    E = edge_index.shape[1]
    h1 = W1.shape[1]
    h2 = W2.shape[1]
    NP = NPAD
    NCH = E // (NW * CW)

    src = edge_index[0].reshape(NW, NCH, CW)
    dst = edge_index[1].reshape(NW, NCH, CW)

    W1d2 = (jnp.zeros((2 * d_in, 2 * h1), jnp.float32)
            .at[:d_in, :h1].set(W1)
            .at[d_in:, h1:].set(W1))
    W2d4 = jnp.zeros((4 * h1, 4 * h2), jnp.float32)
    for j in range(4):
        W2d4 = W2d4.at[j * h1:(j + 1) * h1, j * h2:(j + 1) * h2].set(W2)
    m2 = jnp.repeat(jnp.eye(2, dtype=jnp.float32), h1, axis=1)
    m64 = jnp.repeat(jnp.eye(4, dtype=jnp.float32), h1, axis=1)
    m32 = jnp.repeat(jnp.eye(4, dtype=jnp.float32), h2, axis=1)
    b1q = jnp.tile(b1, 4).reshape(1, 4 * h1)
    b2q = jnp.tile(b2, 4).reshape(1, 4 * h2)

    degp = _make_deg_kernel(NP, NCH)(dst, jnp.zeros((NP,), jnp.float32))
    degp2 = degp.reshape(2, NP // 2, 2)
    degp4 = degp.reshape(2, NP // 4, 4)

    BNp = 1000
    BNq = 640
    x2 = x.reshape(N // 2, 2 * d_in)
    h1p = pl.pallas_call(
        _mm1_body,
        grid=(N // 2 // BNp,),
        in_specs=[
            pl.BlockSpec((BNp, 2 * d_in), lambda i: (i, 0)),
            pl.BlockSpec((2 * d_in, 2 * h1), lambda i: (0, 0)),
        ],
        out_specs=pl.BlockSpec((BNp, 2 * h1), lambda i: (i, 0)),
        out_shape=jax.ShapeDtypeStruct((NP // 2, 2 * h1), jnp.float32),
    )(x2, W1d2)

    hs1p = pl.pallas_call(
        _scale_body,
        grid=(NP // 2 // BNp,),
        in_specs=[
            pl.BlockSpec((2, BNp, 2), lambda i: (0, i, 0)),
            pl.BlockSpec((BNp, 2 * h1), lambda i: (i, 0)),
            pl.BlockSpec((2, 2 * h1), lambda i: (0, 0)),
        ],
        out_specs=pl.BlockSpec((BNp, 2 * h1), lambda i: (i, 0)),
        out_shape=jax.ShapeDtypeStruct((NP // 2, 2 * h1), jnp.float32),
    )(degp2, h1p, m2)

    tab1 = hs1p.reshape(NP, h1)
    s1p = _make_agg_kernel(NP, NCH, h1)(
        tab1, src, dst, jnp.zeros((NP, h1), jnp.float32))

    s1q = s1p.reshape(2, NP // 4, 4 * h1)
    hs1q = hs1p.reshape(NP // 4, 4 * h1)
    hs2q = pl.pallas_call(
        _mid_body,
        grid=(NP // 4 // BNq,),
        in_specs=[
            pl.BlockSpec((2, BNq, 4), lambda i: (0, i, 0)),
            pl.BlockSpec((2, BNq, 4 * h1), lambda i: (0, i, 0)),
            pl.BlockSpec((BNq, 4 * h1), lambda i: (i, 0)),
            pl.BlockSpec((1, 4 * h1), lambda i: (0, 0)),
            pl.BlockSpec((4 * h1, 4 * h2), lambda i: (0, 0)),
            pl.BlockSpec((4, 4 * h1), lambda i: (0, 0)),
            pl.BlockSpec((4, 4 * h2), lambda i: (0, 0)),
        ],
        out_specs=pl.BlockSpec((BNq, 4 * h2), lambda i: (i, 0)),
        out_shape=jax.ShapeDtypeStruct((NP // 4, 4 * h2), jnp.float32),
    )(degp4, s1q, hs1q, b1q, W2d4, m64, m32)

    tab2 = hs2q.reshape(NP, h2)
    s2p = _make_agg_kernel(NP, NCH, h2)(
        tab2, src, dst, jnp.zeros((NP, h2), jnp.float32))

    s2q = s2p.reshape(2, NP // 4, 4 * h2)
    outq = pl.pallas_call(
        _final_body,
        grid=(NP // 4 // BNq,),
        in_specs=[
            pl.BlockSpec((2, BNq, 4), lambda i: (0, i, 0)),
            pl.BlockSpec((2, BNq, 4 * h2), lambda i: (0, i, 0)),
            pl.BlockSpec((BNq, 4 * h2), lambda i: (i, 0)),
            pl.BlockSpec((1, 4 * h2), lambda i: (0, 0)),
            pl.BlockSpec((4, 4 * h2), lambda i: (0, 0)),
        ],
        out_specs=pl.BlockSpec((BNq, 4 * h2), lambda i: (i, 0)),
        out_shape=jax.ShapeDtypeStruct((NP // 4, 4 * h2), jnp.float32),
    )(degp4, s2q, hs2q, b2q, m32)

    return outq[:N // 4].reshape(N, h2)

# --- scband reference (transcript-rebuilt; emitter-appended) ---
"""Pipeline reference for scband-encoder-88931592831265 (READ-ONLY COPY).

The authoritative reference and input builder live on the scoring server;
editing this copy changes nothing except your own understanding.
"""

import jax, jax.numpy as jnp
import numpy as np


def gcn_conv(x, edge_index, W, b):
    # GCNConv: add self-loops, symmetric normalization, linear transform, aggregate
    N = x.shape[0]
    loop = jnp.arange(N, dtype=edge_index.dtype)
    src = jnp.concatenate([edge_index[0], loop])
    dst = jnp.concatenate([edge_index[1], loop])
    h = x @ W
    deg = jnp.zeros((N,), dtype=x.dtype).at[dst].add(1.0)
    dinv = jnp.where(deg > 0, jax.lax.rsqrt(deg), 0.0)
    norm = dinv[src] * dinv[dst]
    msg = h[src] * norm[:, None]
    out = jnp.zeros((N, h.shape[1]), dtype=x.dtype).at[dst].add(msg)
    return out + b


def setup_inputs(seed: int = 0) -> dict:
    key = jax.random.key(seed)
    k1, k2, k3, k4 = jax.random.split(key, 4)
    N, E = 10000, 320000
    d_in, h1, h2 = 128, 64, 32
    x = jax.random.normal(k1, (N, d_in), dtype=jnp.float32)
    edge_index = jax.random.randint(k2, (2, E), 0, N, dtype=jnp.int32)
    W1 = jax.random.normal(k3, (d_in, h1), dtype=jnp.float32) * (1.0 / np.sqrt(d_in))
    b1 = jnp.zeros((h1,), dtype=jnp.float32)
    W2 = jax.random.normal(k4, (h1, h2), dtype=jnp.float32) * (1.0 / np.sqrt(h1))
    b2 = jnp.zeros((h2,), dtype=jnp.float32)
    return {"x": x, "edge_index": edge_index, "W1": W1, "b1": b1, "W2": W2, "b2": b2}


def reference(x, edge_index, W1, b1, W2, b2):
    # Encoder.forward (eval mode: dropout is identity)
    h = gcn_conv(x, edge_index, W1, b1)
    h = jax.nn.leaky_relu(h, negative_slope=0.01)
    h = gcn_conv(h, edge_index, W2, b2)
    h = jax.nn.leaky_relu(h, negative_slope=0.01)
    return h

if __name__ == "__main__":
    import jax
    _d = setup_inputs()
    print(jax.jit(kernel)(*tuple(_d.values())))

</pallas_src>

<mosaic_0001>
#map = affine_map<(d0, d1) -> (0, 0)>
#map1 = affine_map<(d0, d1) -> (0, 0, 0)>
module attributes {stable_mosaic.version = 14 : i64} {
  func.func @agg_kernel(%arg0: i32, %arg1: i32, %arg2: memref<10240x64xf32, #tpu.memory_space<hbm>>, %arg3: memref<32x125x80xi32, #tpu.memory_space<hbm>>, %arg4: memref<32x125x80xi32, #tpu.memory_space<hbm>>, %arg5: memref<10240x64xf32, #tpu.memory_space<hbm>>, %arg6: memref<2x10240x64xf32, #tpu.memory_space<hbm>>, %arg7: memref<125x80xi32, #tpu.memory_space<vmem>>, %arg8: memref<125x80xi32, #tpu.memory_space<vmem>>, %arg9: memref<80x64xf32, #tpu.memory_space<vmem>>, %arg10: memref<80x64xf32, #tpu.memory_space<vmem>>, %arg11: memref<10240x64xf32, #tpu.memory_space<vmem_shared>>, %arg12: memref<10240x64xf32, #tpu.memory_space<vmem_shared>>, %arg13: memref<!tpu.dma_semaphore, #tpu.memory_space<semaphore_mem>>, %arg14: memref<!tpu.dma_semaphore, #tpu.memory_space<semaphore_mem>>) attributes {dimension_semantics = [#tpu.dimension_semantics<core_parallel>, #tpu.dimension_semantics<subcore_parallel>], iteration_bounds = array<i64: 2, 16>, scalar_prefetch = 0 : i64, scratch_operands = 8 : i64, tpu.core_type = #tpu.core_type<sc_vector_subcore>, window_params = [{transform_indices = #map}, {transform_indices = #map1}, {transform_indices = #map1}, {transform_indices = #map}, {transform_indices = #map1}]} {
    %mul3A = arith.constant 2 : i32
    %mul3A_0 = arith.muli %arg1, %mul3A : i32
    %add3A = arith.addi %mul3A_0, %arg0 : i32
    %mul3A_1 = arith.constant 640 : i32
    %mul3A_2 = arith.muli %arg1, %mul3A_1 : i32
    %mul3A_3 = arith.constant 640 : i32
    %mul3A_4 = arith.muli %arg1, %mul3A_3 : i32
    "tpu.region"() ({
      %run_scoped3A_31 = tpu.sem_alloc : memref<!tpu.dma_semaphore, #tpu.memory_space<semaphore_mem>>
      %dma_start3A_32 = arith.constant 0 : i32
      %dma_start3A_33 = tpu.memref_slice %arg11[%mul3A_4, %dma_start3A_32] : memref<10240x64xf32, #tpu.memory_space<vmem_shared>> -> memref<640x64xf32, #tpu.memory_space<vmem_shared>>
      %dma_start3A_34 = arith.constant 0 : i32
      %dma_start3A_35 = tpu.memref_slice %arg5[%mul3A_2, %dma_start3A_34] : memref<10240x64xf32, #tpu.memory_space<hbm>> -> memref<640x64xf32, #tpu.memory_space<hbm>>
      tpu.enqueue_dma source(%dma_start3A_35 : memref<640x64xf32, #tpu.memory_space<hbm>>) target(%dma_start3A_33 : memref<640x64xf32, #tpu.memory_space<vmem_shared>>) target_semaphore(%run_scoped3A_31 : memref<!tpu.dma_semaphore, #tpu.memory_space<semaphore_mem>>)
      %dma_wait3A_36 = arith.constant 0 : i32
      %dma_wait3A_37 = tpu.memref_slice %arg11[%mul3A_4, %dma_wait3A_36] : memref<10240x64xf32, #tpu.memory_space<vmem_shared>> -> memref<640x64xf32, #tpu.memory_space<vmem_shared>>
      %dma_wait3A_38 = arith.constant 0 : i32
      %dma_wait3A_39 = tpu.memref_slice %arg5[%mul3A_2, %dma_wait3A_38] : memref<10240x64xf32, #tpu.memory_space<hbm>> -> memref<640x64xf32, #tpu.memory_space<hbm>>
      tpu.wait_dma2 semaphore(%run_scoped3A_31 : memref<!tpu.dma_semaphore, #tpu.memory_space<semaphore_mem>>) src(%dma_wait3A_39 : memref<640x64xf32, #tpu.memory_space<hbm>>) dst(%dma_wait3A_37 : memref<640x64xf32, #tpu.memory_space<vmem_shared>>)
      tpu.yield
    }) : () -> ()
    %mul3A_5 = arith.constant 640 : i32
    %mul3A_6 = arith.muli %arg1, %mul3A_5 : i32
    %mul3A_7 = arith.constant 640 : i32
    %mul3A_8 = arith.muli %arg1, %mul3A_7 : i32
    "tpu.region"() ({
      %run_scoped3A_31 = tpu.sem_alloc : memref<!tpu.dma_semaphore, #tpu.memory_space<semaphore_mem>>
      %dma_start3A_32 = arith.constant 0 : i32
      %dma_start3A_33 = tpu.memref_slice %arg12[%mul3A_8, %dma_start3A_32] : memref<10240x64xf32, #tpu.memory_space<vmem_shared>> -> memref<640x64xf32, #tpu.memory_space<vmem_shared>>
      %dma_start3A_34 = arith.constant 0 : i32
      %dma_start3A_35 = tpu.memref_slice %arg2[%mul3A_6, %dma_start3A_34] : memref<10240x64xf32, #tpu.memory_space<hbm>> -> memref<640x64xf32, #tpu.memory_space<hbm>>
      tpu.enqueue_dma source(%dma_start3A_35 : memref<640x64xf32, #tpu.memory_space<hbm>>) target(%dma_start3A_33 : memref<640x64xf32, #tpu.memory_space<vmem_shared>>) target_semaphore(%run_scoped3A_31 : memref<!tpu.dma_semaphore, #tpu.memory_space<semaphore_mem>>)
      %dma_wait3A_36 = arith.constant 0 : i32
      %dma_wait3A_37 = tpu.memref_slice %arg12[%mul3A_8, %dma_wait3A_36] : memref<10240x64xf32, #tpu.memory_space<vmem_shared>> -> memref<640x64xf32, #tpu.memory_space<vmem_shared>>
      %dma_wait3A_38 = arith.constant 0 : i32
      %dma_wait3A_39 = tpu.memref_slice %arg2[%mul3A_6, %dma_wait3A_38] : memref<10240x64xf32, #tpu.memory_space<hbm>> -> memref<640x64xf32, #tpu.memory_space<hbm>>
      tpu.wait_dma2 semaphore(%run_scoped3A_31 : memref<!tpu.dma_semaphore, #tpu.memory_space<semaphore_mem>>) src(%dma_wait3A_39 : memref<640x64xf32, #tpu.memory_space<hbm>>) dst(%dma_wait3A_37 : memref<640x64xf32, #tpu.memory_space<vmem_shared>>)
      tpu.yield
    }) : () -> ()
    "tpu.region"() ({
      %run_scoped3A_31 = tpu.sem_alloc : memref<!tpu.dma_semaphore, #tpu.memory_space<semaphore_mem>>
      %dma_start3A_32 = arith.constant 0 : i32
      %dma_start3A_33 = arith.constant 0 : i32
      %dma_start3A_34 = tpu.memref_slice %arg3[%add3A, %dma_start3A_32, %dma_start3A_33] : memref<32x125x80xi32, #tpu.memory_space<hbm>> -> memref<1x125x80xi32, #tpu.memory_space<hbm>>
      %dma_start3A_35 = tpu.memref_squeeze %dma_start3A_34 : memref<1x125x80xi32, #tpu.memory_space<hbm>> -> memref<125x80xi32, #tpu.memory_space<hbm>>
      %dma_start3A_36 = arith.constant 0 : i32
      %dma_start3A_37 = arith.constant 0 : i32
      %dma_start3A_38 = tpu.memref_slice %arg3[%add3A, %dma_start3A_36, %dma_start3A_37] : memref<32x125x80xi32, #tpu.memory_space<hbm>> -> memref<1x125x80xi32, #tpu.memory_space<hbm>>
      %dma_start3A_39 = tpu.memref_squeeze %dma_start3A_38 : memref<1x125x80xi32, #tpu.memory_space<hbm>> -> memref<125x80xi32, #tpu.memory_space<hbm>>
      tpu.enqueue_dma source(%dma_start3A_39 : memref<125x80xi32, #tpu.memory_space<hbm>>) target(%arg7 : memref<125x80xi32, #tpu.memory_space<vmem>>) target_semaphore(%run_scoped3A_31 : memref<!tpu.dma_semaphore, #tpu.memory_space<semaphore_mem>>)
      %dma_wait3A_40 = arith.constant 0 : i32
      %dma_wait3A_41 = arith.constant 0 : i32
      %dma_wait3A_42 = tpu.memref_slice %arg3[%add3A, %dma_wait3A_40, %dma_wait3A_41] : memref<32x125x80xi32, #tpu.memory_space<hbm>> -> memref<1x125x80xi32, #tpu.memory_space<hbm>>
      %dma_wait3A_43 = tpu.memref_squeeze %dma_wait3A_42 : memref<1x125x80xi32, #tpu.memory_space<hbm>> -> memref<125x80xi32, #tpu.memory_space<hbm>>
      %dma_wait3A_44 = arith.constant 0 : i32
      %dma_wait3A_45 = arith.constant 0 : i32
      %dma_wait3A_46 = tpu.memref_slice %arg3[%add3A, %dma_wait3A_44, %dma_wait3A_45] : memref<32x125x80xi32, #tpu.memory_space<hbm>> -> memref<1x125x80xi32, #tpu.memory_space<hbm>>
      %dma_wait3A_47 = tpu.memref_squeeze %dma_wait3A_46 : memref<1x125x80xi32, #tpu.memory_space<hbm>> -> memref<125x80xi32, #tpu.memory_space<hbm>>
      tpu.wait_dma2 semaphore(%run_scoped3A_31 : memref<!tpu.dma_semaphore, #tpu.memory_space<semaphore_mem>>) src(%dma_wait3A_47 : memref<125x80xi32, #tpu.memory_space<hbm>>) dst(%arg7 : memref<125x80xi32, #tpu.memory_space<vmem>>)
      tpu.yield
    }) : () -> ()
    "tpu.region"() ({
      %run_scoped3A_31 = tpu.sem_alloc : memref<!tpu.dma_semaphore, #tpu.memory_space<semaphore_mem>>
      %dma_start3A_32 = arith.constant 0 : i32
      %dma_start3A_33 = arith.constant 0 : i32
      %dma_start3A_34 = tpu.memref_slice %arg4[%add3A, %dma_start3A_32, %dma_start3A_33] : memref<32x125x80xi32, #tpu.memory_space<hbm>> -> memref<1x125x80xi32, #tpu.memory_space<hbm>>
      %dma_start3A_35 = tpu.memref_squeeze %dma_start3A_34 : memref<1x125x80xi32, #tpu.memory_space<hbm>> -> memref<125x80xi32, #tpu.memory_space<hbm>>
      %dma_start3A_36 = arith.constant 0 : i32
      %dma_start3A_37 = arith.constant 0 : i32
      %dma_start3A_38 = tpu.memref_slice %arg4[%add3A, %dma_start3A_36, %dma_start3A_37] : memref<32x125x80xi32, #tpu.memory_space<hbm>> -> memref<1x125x80xi32, #tpu.memory_space<hbm>>
      %dma_start3A_39 = tpu.memref_squeeze %dma_start3A_38 : memref<1x125x80xi32, #tpu.memory_space<hbm>> -> memref<125x80xi32, #tpu.memory_space<hbm>>
      tpu.enqueue_dma source(%dma_start3A_39 : memref<125x80xi32, #tpu.memory_space<hbm>>) target(%arg8 : memref<125x80xi32, #tpu.memory_space<vmem>>) target_semaphore(%run_scoped3A_31 : memref<!tpu.dma_semaphore, #tpu.memory_space<semaphore_mem>>)
      %dma_wait3A_40 = arith.constant 0 : i32
      %dma_wait3A_41 = arith.constant 0 : i32
      %dma_wait3A_42 = tpu.memref_slice %arg4[%add3A, %dma_wait3A_40, %dma_wait3A_41] : memref<32x125x80xi32, #tpu.memory_space<hbm>> -> memref<1x125x80xi32, #tpu.memory_space<hbm>>
      %dma_wait3A_43 = tpu.memref_squeeze %dma_wait3A_42 : memref<1x125x80xi32, #tpu.memory_space<hbm>> -> memref<125x80xi32, #tpu.memory_space<hbm>>
      %dma_wait3A_44 = arith.constant 0 : i32
      %dma_wait3A_45 = arith.constant 0 : i32
      %dma_wait3A_46 = tpu.memref_slice %arg4[%add3A, %dma_wait3A_44, %dma_wait3A_45] : memref<32x125x80xi32, #tpu.memory_space<hbm>> -> memref<1x125x80xi32, #tpu.memory_space<hbm>>
      %dma_wait3A_47 = tpu.memref_squeeze %dma_wait3A_46 : memref<1x125x80xi32, #tpu.memory_space<hbm>> -> memref<125x80xi32, #tpu.memory_space<hbm>>
      tpu.wait_dma2 semaphore(%run_scoped3A_31 : memref<!tpu.dma_semaphore, #tpu.memory_space<semaphore_mem>>) src(%dma_wait3A_47 : memref<125x80xi32, #tpu.memory_space<hbm>>) dst(%arg8 : memref<125x80xi32, #tpu.memory_space<vmem>>)
      tpu.yield
    }) : () -> ()
    %barrier3A = arith.constant 0 : index
    tpu.barrier barrier_id(%barrier3A)
    %dma_start3A = arith.constant 0 : i32
    %dma_start3A_9 = arith.constant 0 : i32
    %dma_start3A_10 = tpu.memref_slice %arg7[%dma_start3A, %dma_start3A_9] : memref<125x80xi32, #tpu.memory_space<vmem>> -> memref<1x80xi32, #tpu.memory_space<vmem>>
    %dma_start3A_11 = tpu.memref_squeeze %dma_start3A_10 : memref<1x80xi32, #tpu.memory_space<vmem>> -> memref<80xi32, #tpu.memory_space<vmem>>
    %dma_start3A_12 = arith.constant 0 : i32
    %dma_start3A_13 = arith.constant 0 : i32
    %dma_start3A_14 = tpu.memref_slice %arg12[%dma_start3A_12, %dma_start3A_13] : memref<10240x64xf32, #tpu.memory_space<vmem_shared>> -> memref<10240x64xf32, #tpu.memory_space<vmem_shared>>
    tpu.enqueue_indirect_dma source(%dma_start3A_14 : memref<10240x64xf32, #tpu.memory_space<vmem_shared>>) target(%arg9 : memref<80x64xf32, #tpu.memory_space<vmem>>) offsets(%dma_start3A_11 : memref<80xi32, #tpu.memory_space<vmem>>) semaphore(%arg13 : memref<!tpu.dma_semaphore, #tpu.memory_space<semaphore_mem>>)
    %scan3A = arith.constant 0 : i32
    %scan3A_15 = arith.constant 0 : i32
    %scan3A_16 = arith.constant 62 : i32
    %scan3A_17 = arith.addi %scan3A_15, %scan3A_16 : i32
    %scan3A_18 = arith.constant 1 : i32
    scf.for %scan3A_31 = %scan3A_15 to %scan3A_17 step %scan3A_18  : i32 {
      %mul3A_32 = arith.constant 2 : i32
      %mul3A_33 = arith.muli %mul3A_32, %scan3A_31 : i32
      %add3A_34 = arith.constant 1 : i32
      %add3A_35 = arith.addi %mul3A_33, %add3A_34 : i32
      %dma_wait3A_36 = arith.constant 0 : i32
      %dma_wait3A_37 = tpu.memref_slice %arg7[%mul3A_33, %dma_wait3A_36] : memref<125x80xi32, #tpu.memory_space<vmem>> -> memref<1x80xi32, #tpu.memory_space<vmem>>
      %dma_wait3A_38 = tpu.memref_squeeze %dma_wait3A_37 : memref<1x80xi32, #tpu.memory_space<vmem>> -> memref<80xi32, #tpu.memory_space<vmem>>
      %dma_wait3A_39 = arith.constant 0 : i32
      %dma_wait3A_40 = arith.constant 0 : i32
      %dma_wait3A_41 = tpu.memref_slice %arg12[%dma_wait3A_39, %dma_wait3A_40] : memref<10240x64xf32, #tpu.memory_space<vmem_shared>> -> memref<10240x64xf32, #tpu.memory_space<vmem_shared>>
      tpu.wait_indirect_dma semaphore(%arg13 : memref<!tpu.dma_semaphore, #tpu.memory_space<semaphore_mem>>) src(%dma_wait3A_41 : memref<10240x64xf32, #tpu.memory_space<vmem_shared>>) dst(%arg9 : memref<80x64xf32, #tpu.memory_space<vmem>>)
      %dma_start3A_42 = arith.constant 0 : i32
      %dma_start3A_43 = tpu.memref_slice %arg7[%add3A_35, %dma_start3A_42] : memref<125x80xi32, #tpu.memory_space<vmem>> -> memref<1x80xi32, #tpu.memory_space<vmem>>
      %dma_start3A_44 = tpu.memref_squeeze %dma_start3A_43 : memref<1x80xi32, #tpu.memory_space<vmem>> -> memref<80xi32, #tpu.memory_space<vmem>>
      %dma_start3A_45 = arith.constant 0 : i32
      %dma_start3A_46 = arith.constant 0 : i32
      %dma_start3A_47 = tpu.memref_slice %arg12[%dma_start3A_45, %dma_start3A_46] : memref<10240x64xf32, #tpu.memory_space<vmem_shared>> -> memref<10240x64xf32, #tpu.memory_space<vmem_shared>>
      tpu.enqueue_indirect_dma source(%dma_start3A_47 : memref<10240x64xf32, #tpu.memory_space<vmem_shared>>) target(%arg10 : memref<80x64xf32, #tpu.memory_space<vmem>>) offsets(%dma_start3A_44 : memref<80xi32, #tpu.memory_space<vmem>>) semaphore(%arg14 : memref<!tpu.dma_semaphore, #tpu.memory_space<semaphore_mem>>)
      "tpu.region"() ({
        %run_scoped3A_62 = tpu.sem_alloc : memref<!tpu.dma_semaphore, #tpu.memory_space<semaphore_mem>>
        %dma_start3A_63 = arith.constant 0 : i32
        %dma_start3A_64 = tpu.memref_slice %arg8[%mul3A_33, %dma_start3A_63] : memref<125x80xi32, #tpu.memory_space<vmem>> -> memref<1x80xi32, #tpu.memory_space<vmem>>
        %dma_start3A_65 = tpu.memref_squeeze %dma_start3A_64 : memref<1x80xi32, #tpu.memory_space<vmem>> -> memref<80xi32, #tpu.memory_space<vmem>>
        %dma_start3A_66 = arith.constant 0 : i32
        %dma_start3A_67 = arith.constant 0 : i32
        %dma_start3A_68 = tpu.memref_slice %arg11[%dma_start3A_66, %dma_start3A_67] : memref<10240x64xf32, #tpu.memory_space<vmem_shared>> -> memref<10240x64xf32, #tpu.memory_space<vmem_shared>>
        tpu.enqueue_indirect_dma source(%arg9 : memref<80x64xf32, #tpu.memory_space<vmem>>) target(%dma_start3A_68 : memref<10240x64xf32, #tpu.memory_space<vmem_shared>>) offsets(%dma_start3A_65 : memref<80xi32, #tpu.memory_space<vmem>>) semaphore(%run_scoped3A_62 : memref<!tpu.dma_semaphore, #tpu.memory_space<semaphore_mem>>) {add = true}
        %dma_wait3A_69 = arith.constant 0 : i32
        %dma_wait3A_70 = tpu.memref_slice %arg8[%mul3A_33, %dma_wait3A_69] : memref<125x80xi32, #tpu.memory_space<vmem>> -> memref<1x80xi32, #tpu.memory_space<vmem>>
        %dma_wait3A_71 = tpu.memref_squeeze %dma_wait3A_70 : memref<1x80xi32, #tpu.memory_space<vmem>> -> memref<80xi32, #tpu.memory_space<vmem>>
        %dma_wait3A_72 = arith.constant 0 : i32
        %dma_wait3A_73 = arith.constant 0 : i32
        %dma_wait3A_74 = tpu.memref_slice %arg11[%dma_wait3A_72, %dma_wait3A_73] : memref<10240x64xf32, #tpu.memory_space<vmem_shared>> -> memref<10240x64xf32, #tpu.memory_space<vmem_shared>>
        tpu.wait_indirect_dma semaphore(%run_scoped3A_62 : memref<!tpu.dma_semaphore, #tpu.memory_space<semaphore_mem>>) src(%arg9 : memref<80x64xf32, #tpu.memory_space<vmem>>) dst(%dma_wait3A_74 : memref<10240x64xf32, #tpu.memory_space<vmem_shared>>)
        tpu.yield
      }) : () -> ()
      %dma_wait3A_48 = arith.constant 0 : i32
      %dma_wait3A_49 = tpu.memref_slice %arg7[%add3A_35, %dma_wait3A_48] : memref<125x80xi32, #tpu.memory_space<vmem>> -> memref<1x80xi32, #tpu.memory_space<vmem>>
      %dma_wait3A_50 = tpu.memref_squeeze %dma_wait3A_49 : memref<1x80xi32, #tpu.memory_space<vmem>> -> memref<80xi32, #tpu.memory_space<vmem>>
      %dma_wait3A_51 = arith.constant 0 : i32
      %dma_wait3A_52 = arith.constant 0 : i32
      %dma_wait3A_53 = tpu.memref_slice %arg12[%dma_wait3A_51, %dma_wait3A_52] : memref<10240x64xf32, #tpu.memory_space<vmem_shared>> -> memref<10240x64xf32, #tpu.memory_space<vmem_shared>>
      tpu.wait_indirect_dma semaphore(%arg14 : memref<!tpu.dma_semaphore, #tpu.memory_space<semaphore_mem>>) src(%dma_wait3A_53 : memref<10240x64xf32, #tpu.memory_space<vmem_shared>>) dst(%arg10 : memref<80x64xf32, #tpu.memory_space<vmem>>)
      %add3A_54 = arith.constant 2 : i32
      %add3A_55 = arith.addi %mul3A_33, %add3A_54 : i32
      %dma_start3A_56 = arith.constant 0 : i32
      %dma_start3A_57 = tpu.memref_slice %arg7[%add3A_55, %dma_start3A_56] : memref<125x80xi32, #tpu.memory_space<vmem>> -> memref<1x80xi32, #tpu.memory_space<vmem>>
      %dma_start3A_58 = tpu.memref_squeeze %dma_start3A_57 : memref<1x80xi32, #tpu.memory_space<vmem>> -> memref<80xi32, #tpu.memory_space<vmem>>
      %dma_start3A_59 = arith.constant 0 : i32
      %dma_start3A_60 = arith.constant 0 : i32
      %dma_start3A_61 = tpu.memref_slice %arg12[%dma_start3A_59, %dma_start3A_60] : memref<10240x64xf32, #tpu.memory_space<vmem_shared>> -> memref<10240x64xf32, #tpu.memory_space<vmem_shared>>
      tpu.enqueue_indirect_dma source(%dma_start3A_61 : memref<10240x64xf32, #tpu.memory_space<vmem_shared>>) target(%arg9 : memref<80x64xf32, #tpu.memory_space<vmem>>) offsets(%dma_start3A_58 : memref<80xi32, #tpu.memory_space<vmem>>) semaphore(%arg13 : memref<!tpu.dma_semaphore, #tpu.memory_space<semaphore_mem>>)
      "tpu.region"() ({
        %run_scoped3A_62 = tpu.sem_alloc : memref<!tpu.dma_semaphore, #tpu.memory_space<semaphore_mem>>
        %dma_start3A_63 = arith.constant 0 : i32
        %dma_start3A_64 = tpu.memref_slice %arg8[%add3A_35, %dma_start3A_63] : memref<125x80xi32, #tpu.memory_space<vmem>> -> memref<1x80xi32, #tpu.memory_space<vmem>>
        %dma_start3A_65 = tpu.memref_squeeze %dma_start3A_64 : memref<1x80xi32, #tpu.memory_space<vmem>> -> memref<80xi32, #tpu.memory_space<vmem>>
        %dma_start3A_66 = arith.constant 0 : i32
        %dma_start3A_67 = arith.constant 0 : i32
        %dma_start3A_68 = tpu.memref_slice %arg11[%dma_start3A_66, %dma_start3A_67] : memref<10240x64xf32, #tpu.memory_space<vmem_shared>> -> memref<10240x64xf32, #tpu.memory_space<vmem_shared>>
        tpu.enqueue_indirect_dma source(%arg10 : memref<80x64xf32, #tpu.memory_space<vmem>>) target(%dma_start3A_68 : memref<10240x64xf32, #tpu.memory_space<vmem_shared>>) offsets(%dma_start3A_65 : memref<80xi32, #tpu.memory_space<vmem>>) semaphore(%run_scoped3A_62 : memref<!tpu.dma_semaphore, #tpu.memory_space<semaphore_mem>>) {add = true}
        %dma_wait3A_69 = arith.constant 0 : i32
        %dma_wait3A_70 = tpu.memref_slice %arg8[%add3A_35, %dma_wait3A_69] : memref<125x80xi32, #tpu.memory_space<vmem>> -> memref<1x80xi32, #tpu.memory_space<vmem>>
        %dma_wait3A_71 = tpu.memref_squeeze %dma_wait3A_70 : memref<1x80xi32, #tpu.memory_space<vmem>> -> memref<80xi32, #tpu.memory_space<vmem>>
        %dma_wait3A_72 = arith.constant 0 : i32
        %dma_wait3A_73 = arith.constant 0 : i32
        %dma_wait3A_74 = tpu.memref_slice %arg11[%dma_wait3A_72, %dma_wait3A_73] : memref<10240x64xf32, #tpu.memory_space<vmem_shared>> -> memref<10240x64xf32, #tpu.memory_space<vmem_shared>>
        tpu.wait_indirect_dma semaphore(%run_scoped3A_62 : memref<!tpu.dma_semaphore, #tpu.memory_space<semaphore_mem>>) src(%arg10 : memref<80x64xf32, #tpu.memory_space<vmem>>) dst(%dma_wait3A_74 : memref<10240x64xf32, #tpu.memory_space<vmem_shared>>)
        tpu.yield
      }) : () -> ()
    }
    %scan3A_19 = arith.constant 62 : i32
    %dma_wait3A = arith.constant 124 : i32
    %dma_wait3A_20 = arith.constant 0 : i32
    %dma_wait3A_21 = tpu.memref_slice %arg7[%dma_wait3A, %dma_wait3A_20] : memref<125x80xi32, #tpu.memory_space<vmem>> -> memref<1x80xi32, #tpu.memory_space<vmem>>
    %dma_wait3A_22 = tpu.memref_squeeze %dma_wait3A_21 : memref<1x80xi32, #tpu.memory_space<vmem>> -> memref<80xi32, #tpu.memory_space<vmem>>
    %dma_wait3A_23 = arith.constant 0 : i32
    %dma_wait3A_24 = arith.constant 0 : i32
    %dma_wait3A_25 = tpu.memref_slice %arg12[%dma_wait3A_23, %dma_wait3A_24] : memref<10240x64xf32, #tpu.memory_space<vmem_shared>> -> memref<10240x64xf32, #tpu.memory_space<vmem_shared>>
    tpu.wait_indirect_dma semaphore(%arg13 : memref<!tpu.dma_semaphore, #tpu.memory_space<semaphore_mem>>) src(%dma_wait3A_25 : memref<10240x64xf32, #tpu.memory_space<vmem_shared>>) dst(%arg9 : memref<80x64xf32, #tpu.memory_space<vmem>>)
    %run_scoped3A = arith.constant 124 : i32
    "tpu.region"() ({
      %run_scoped3A_31 = tpu.sem_alloc : memref<!tpu.dma_semaphore, #tpu.memory_space<semaphore_mem>>
      %dma_start3A_32 = arith.constant 0 : i32
      %dma_start3A_33 = tpu.memref_slice %arg8[%run_scoped3A, %dma_start3A_32] : memref<125x80xi32, #tpu.memory_space<vmem>> -> memref<1x80xi32, #tpu.memory_space<vmem>>
      %dma_start3A_34 = tpu.memref_squeeze %dma_start3A_33 : memref<1x80xi32, #tpu.memory_space<vmem>> -> memref<80xi32, #tpu.memory_space<vmem>>
      %dma_start3A_35 = arith.constant 0 : i32
      %dma_start3A_36 = arith.constant 0 : i32
      %dma_start3A_37 = tpu.memref_slice %arg11[%dma_start3A_35, %dma_start3A_36] : memref<10240x64xf32, #tpu.memory_space<vmem_shared>> -> memref<10240x64xf32, #tpu.memory_space<vmem_shared>>
      tpu.enqueue_indirect_dma source(%arg9 : memref<80x64xf32, #tpu.memory_space<vmem>>) target(%dma_start3A_37 : memref<10240x64xf32, #tpu.memory_space<vmem_shared>>) offsets(%dma_start3A_34 : memref<80xi32, #tpu.memory_space<vmem>>) semaphore(%run_scoped3A_31 : memref<!tpu.dma_semaphore, #tpu.memory_space<semaphore_mem>>) {add = true}
      %dma_wait3A_38 = arith.constant 0 : i32
      %dma_wait3A_39 = tpu.memref_slice %arg8[%run_scoped3A, %dma_wait3A_38] : memref<125x80xi32, #tpu.memory_space<vmem>> -> memref<1x80xi32, #tpu.memory_space<vmem>>
      %dma_wait3A_40 = tpu.memref_squeeze %dma_wait3A_39 : memref<1x80xi32, #tpu.memory_space<vmem>> -> memref<80xi32, #tpu.memory_space<vmem>>
      %dma_wait3A_41 = arith.constant 0 : i32
      %dma_wait3A_42 = arith.constant 0 : i32
      %dma_wait3A_43 = tpu.memref_slice %arg11[%dma_wait3A_41, %dma_wait3A_42] : memref<10240x64xf32, #tpu.memory_space<vmem_shared>> -> memref<10240x64xf32, #tpu.memory_space<vmem_shared>>
      tpu.wait_indirect_dma semaphore(%run_scoped3A_31 : memref<!tpu.dma_semaphore, #tpu.memory_space<semaphore_mem>>) src(%arg9 : memref<80x64xf32, #tpu.memory_space<vmem>>) dst(%dma_wait3A_43 : memref<10240x64xf32, #tpu.memory_space<vmem_shared>>)
      tpu.yield
    }) : () -> ()
    %barrier3A_26 = arith.constant 0 : index
    tpu.barrier barrier_id(%barrier3A_26)
    %mul3A_27 = arith.constant 640 : i32
    %mul3A_28 = arith.muli %arg1, %mul3A_27 : i32
    %mul3A_29 = arith.constant 640 : i32
    %mul3A_30 = arith.muli %arg1, %mul3A_29 : i32
    "tpu.region"() ({
      %run_scoped3A_31 = tpu.sem_alloc : memref<!tpu.dma_semaphore, #tpu.memory_space<semaphore_mem>>
      %dma_start3A_32 = arith.constant 0 : i32
      %dma_start3A_33 = arith.constant 0 : i32
      %dma_start3A_34 = tpu.memref_slice %arg6[%arg0, %dma_start3A_32, %dma_start3A_33] : memref<2x10240x64xf32, #tpu.memory_space<hbm>> -> memref<1x10240x64xf32, #tpu.memory_space<hbm>>
      %dma_start3A_35 = tpu.memref_squeeze %dma_start3A_34 : memref<1x10240x64xf32, #tpu.memory_space<hbm>> -> memref<10240x64xf32, #tpu.memory_space<hbm>>
      %dma_start3A_36 = arith.constant 0 : i32
      %dma_start3A_37 = tpu.memref_slice %dma_start3A_35[%mul3A_30, %dma_start3A_36] : memref<10240x64xf32, #tpu.memory_space<hbm>> -> memref<640x64xf32, #tpu.memory_space<hbm>>
      %dma_start3A_38 = arith.constant 0 : i32
      %dma_start3A_39 = tpu.memref_slice %arg11[%mul3A_28, %dma_start3A_38] : memref<10240x64xf32, #tpu.memory_space<vmem_shared>> -> memref<640x64xf32, #tpu.memory_space<vmem_shared>>
      tpu.enqueue_dma source(%dma_start3A_39 : memref<640x64xf32, #tpu.memory_space<vmem_shared>>) target(%dma_start3A_37 : memref<640x64xf32, #tpu.memory_space<hbm>>) target_semaphore(%run_scoped3A_31 : memref<!tpu.dma_semaphore, #tpu.memory_space<semaphore_mem>>)
      %dma_wait3A_40 = arith.constant 0 : i32
      %dma_wait3A_41 = arith.constant 0 : i32
      %dma_wait3A_42 = tpu.memref_slice %arg6[%arg0, %dma_wait3A_40, %dma_wait3A_41] : memref<2x10240x64xf32, #tpu.memory_space<hbm>> -> memref<1x10240x64xf32, #tpu.memory_space<hbm>>
      %dma_wait3A_43 = tpu.memref_squeeze %dma_wait3A_42 : memref<1x10240x64xf32, #tpu.memory_space<hbm>> -> memref<10240x64xf32, #tpu.memory_space<hbm>>
      %dma_wait3A_44 = arith.constant 0 : i32
      %dma_wait3A_45 = tpu.memref_slice %dma_wait3A_43[%mul3A_30, %dma_wait3A_44] : memref<10240x64xf32, #tpu.memory_space<hbm>> -> memref<640x64xf32, #tpu.memory_space<hbm>>
      %dma_wait3A_46 = arith.constant 0 : i32
      %dma_wait3A_47 = tpu.memref_slice %arg11[%mul3A_28, %dma_wait3A_46] : memref<10240x64xf32, #tpu.memory_space<vmem_shared>> -> memref<640x64xf32, #tpu.memory_space<vmem_shared>>
      tpu.wait_dma2 semaphore(%run_scoped3A_31 : memref<!tpu.dma_semaphore, #tpu.memory_space<semaphore_mem>>) src(%dma_wait3A_47 : memref<640x64xf32, #tpu.memory_space<vmem_shared>>) dst(%dma_wait3A_45 : memref<640x64xf32, #tpu.memory_space<hbm>>)
      tpu.yield
    }) : () -> ()
    return
  }
}

#map = affine_map<(d0, d1) -> (0, 0, 0)>
#map1 = affine_map<(d0, d1) -> (0)>
#map2 = affine_map<(d0, d1) -> (0, 0)>
module attributes {stable_mosaic.version = 14 : i64} {
  func.func @deg_kernel(%arg0: i32, %arg1: i32, %arg2: memref<32x125x80xi32, #tpu.memory_space<hbm>>, %arg3: memref<10240xf32, #tpu.memory_space<hbm>>, %arg4: memref<2x10240xf32, #tpu.memory_space<hbm>>, %arg5: memref<125x80xi32, #tpu.memory_space<vmem>>, %arg6: memref<80xf32, #tpu.memory_space<vmem>>, %arg7: memref<10240xf32, #tpu.memory_space<vmem_shared>>, %arg8: memref<!tpu.dma_semaphore, #tpu.memory_space<semaphore_mem>>) attributes {dimension_semantics = [#tpu.dimension_semantics<core_parallel>, #tpu.dimension_semantics<subcore_parallel>], iteration_bounds = array<i64: 2, 16>, scalar_prefetch = 0 : i64, scratch_operands = 4 : i64, tpu.core_type = #tpu.core_type<sc_vector_subcore>, window_params = [{transform_indices = #map}, {transform_indices = #map1}, {transform_indices = #map2}]} {
    %mul3A = arith.constant 2 : i32
    %mul3A_0 = arith.muli %arg1, %mul3A : i32
    %add3A = arith.addi %mul3A_0, %arg0 : i32
    %mul3A_1 = arith.constant 640 : i32
    %mul3A_2 = arith.muli %arg1, %mul3A_1 : i32
    %mul3A_3 = arith.constant 640 : i32
    %mul3A_4 = arith.muli %arg1, %mul3A_3 : i32
    "tpu.region"() ({
      %run_scoped3A = tpu.sem_alloc : memref<!tpu.dma_semaphore, #tpu.memory_space<semaphore_mem>>
      %dma_start3A_53 = tpu.memref_slice %arg7[%mul3A_4] : memref<10240xf32, #tpu.memory_space<vmem_shared>> -> memref<640xf32, #tpu.memory_space<vmem_shared>>
      %dma_start3A_54 = tpu.memref_slice %arg3[%mul3A_2] : memref<10240xf32, #tpu.memory_space<hbm>> -> memref<640xf32, #tpu.memory_space<hbm>>
      tpu.enqueue_dma source(%dma_start3A_54 : memref<640xf32, #tpu.memory_space<hbm>>) target(%dma_start3A_53 : memref<640xf32, #tpu.memory_space<vmem_shared>>) target_semaphore(%run_scoped3A : memref<!tpu.dma_semaphore, #tpu.memory_space<semaphore_mem>>)
      %dma_wait3A_55 = tpu.memref_slice %arg7[%mul3A_4] : memref<10240xf32, #tpu.memory_space<vmem_shared>> -> memref<640xf32, #tpu.memory_space<vmem_shared>>
      %dma_wait3A_56 = tpu.memref_slice %arg3[%mul3A_2] : memref<10240xf32, #tpu.memory_space<hbm>> -> memref<640xf32, #tpu.memory_space<hbm>>
      tpu.wait_dma2 semaphore(%run_scoped3A : memref<!tpu.dma_semaphore, #tpu.memory_space<semaphore_mem>>) src(%dma_wait3A_56 : memref<640xf32, #tpu.memory_space<hbm>>) dst(%dma_wait3A_55 : memref<640xf32, #tpu.memory_space<vmem_shared>>)
      tpu.yield
    }) : () -> ()
    %broadcast_in_dim3A = arith.constant 1.000000e+00 : f32
    %broadcast_in_dim3A_5 = vector.broadcast %broadcast_in_dim3A : f32 to vector<16xf32>
    %swap3A = arith.constant 0 : index
    %swap3A_6 = tpu.vector_load %arg6[%swap3A] {strides = array<i32>} : memref<80xf32, #tpu.memory_space<vmem>>, vector<16xf32>,
    %swap3A_7 = vector.shape_cast %swap3A_6 : vector<16xf32> to vector<16xf32>
    %swap3A_8 = vector.shape_cast %broadcast_in_dim3A_5 : vector<16xf32> to vector<16xf32>
    tpu.vector_store %arg6[%swap3A], %swap3A_8 {strides = array<i32>} : memref<80xf32, #tpu.memory_space<vmem>>, vector<16xf32>,
    %broadcast_in_dim3A_9 = arith.constant 1.000000e+00 : f32
    %broadcast_in_dim3A_10 = vector.broadcast %broadcast_in_dim3A_9 : f32 to vector<16xf32>
    %swap3A_11 = arith.constant 16 : index
    %swap3A_12 = tpu.vector_load %arg6[%swap3A_11] {strides = array<i32>} : memref<80xf32, #tpu.memory_space<vmem>>, vector<16xf32>,
    %swap3A_13 = vector.shape_cast %swap3A_12 : vector<16xf32> to vector<16xf32>
    %swap3A_14 = vector.shape_cast %broadcast_in_dim3A_10 : vector<16xf32> to vector<16xf32>
    tpu.vector_store %arg6[%swap3A_11], %swap3A_14 {strides = array<i32>} : memref<80xf32, #tpu.memory_space<vmem>>, vector<16xf32>,
    %broadcast_in_dim3A_15 = arith.constant 1.000000e+00 : f32
    %broadcast_in_dim3A_16 = vector.broadcast %broadcast_in_dim3A_15 : f32 to vector<16xf32>
    %swap3A_17 = arith.constant 32 : index
    %swap3A_18 = tpu.vector_load %arg6[%swap3A_17] {strides = array<i32>} : memref<80xf32, #tpu.memory_space<vmem>>, vector<16xf32>,
    %swap3A_19 = vector.shape_cast %swap3A_18 : vector<16xf32> to vector<16xf32>
    %swap3A_20 = vector.shape_cast %broadcast_in_dim3A_16 : vector<16xf32> to vector<16xf32>
    tpu.vector_store %arg6[%swap3A_17], %swap3A_20 {strides = array<i32>} : memref<80xf32, #tpu.memory_space<vmem>>, vector<16xf32>,
    %broadcast_in_dim3A_21 = arith.constant 1.000000e+00 : f32
    %broadcast_in_dim3A_22 = vector.broadcast %broadcast_in_dim3A_21 : f32 to vector<16xf32>
    %swap3A_23 = arith.constant 48 : index
    %swap3A_24 = tpu.vector_load %arg6[%swap3A_23] {strides = array<i32>} : memref<80xf32, #tpu.memory_space<vmem>>, vector<16xf32>,
    %swap3A_25 = vector.shape_cast %swap3A_24 : vector<16xf32> to vector<16xf32>
    %swap3A_26 = vector.shape_cast %broadcast_in_dim3A_22 : vector<16xf32> to vector<16xf32>
    tpu.vector_store %arg6[%swap3A_23], %swap3A_26 {strides = array<i32>} : memref<80xf32, #tpu.memory_space<vmem>>, vector<16xf32>,
    %broadcast_in_dim3A_27 = arith.constant 1.000000e+00 : f32
    %broadcast_in_dim3A_28 = vector.broadcast %broadcast_in_dim3A_27 : f32 to vector<16xf32>
    %swap3A_29 = arith.constant 64 : index
    %swap3A_30 = tpu.vector_load %arg6[%swap3A_29] {strides = array<i32>} : memref<80xf32, #tpu.memory_space<vmem>>, vector<16xf32>,
    %swap3A_31 = vector.shape_cast %swap3A_30 : vector<16xf32> to vector<16xf32>
    %swap3A_32 = vector.shape_cast %broadcast_in_dim3A_28 : vector<16xf32> to vector<16xf32>
    tpu.vector_store %arg6[%swap3A_29], %swap3A_32 {strides = array<i32>} : memref<80xf32, #tpu.memory_space<vmem>>, vector<16xf32>,
    "tpu.region"() ({
      %run_scoped3A = tpu.sem_alloc : memref<!tpu.dma_semaphore, #tpu.memory_space<semaphore_mem>>
      %dma_start3A_53 = arith.constant 0 : i32
      %dma_start3A_54 = arith.constant 0 : i32
      %dma_start3A_55 = tpu.memref_slice %arg2[%add3A, %dma_start3A_53, %dma_start3A_54] : memref<32x125x80xi32, #tpu.memory_space<hbm>> -> memref<1x125x80xi32, #tpu.memory_space<hbm>>
      %dma_start3A_56 = tpu.memref_squeeze %dma_start3A_55 : memref<1x125x80xi32, #tpu.memory_space<hbm>> -> memref<125x80xi32, #tpu.memory_space<hbm>>
      %dma_start3A_57 = arith.constant 0 : i32
      %dma_start3A_58 = arith.constant 0 : i32
      %dma_start3A_59 = tpu.memref_slice %arg2[%add3A, %dma_start3A_57, %dma_start3A_58] : memref<32x125x80xi32, #tpu.memory_space<hbm>> -> memref<1x125x80xi32, #tpu.memory_space<hbm>>
      %dma_start3A_60 = tpu.memref_squeeze %dma_start3A_59 : memref<1x125x80xi32, #tpu.memory_space<hbm>> -> memref<125x80xi32, #tpu.memory_space<hbm>>
      tpu.enqueue_dma source(%dma_start3A_60 : memref<125x80xi32, #tpu.memory_space<hbm>>) target(%arg5 : memref<125x80xi32, #tpu.memory_space<vmem>>) target_semaphore(%run_scoped3A : memref<!tpu.dma_semaphore, #tpu.memory_space<semaphore_mem>>)
      %dma_wait3A_61 = arith.constant 0 : i32
      %dma_wait3A_62 = arith.constant 0 : i32
      %dma_wait3A_63 = tpu.memref_slice %arg2[%add3A, %dma_wait3A_61, %dma_wait3A_62] : memref<32x125x80xi32, #tpu.memory_space<hbm>> -> memref<1x125x80xi32, #tpu.memory_space<hbm>>
      %dma_wait3A_64 = tpu.memref_squeeze %dma_wait3A_63 : memref<1x125x80xi32, #tpu.memory_space<hbm>> -> memref<125x80xi32, #tpu.memory_space<hbm>>
      %dma_wait3A_65 = arith.constant 0 : i32
      %dma_wait3A_66 = arith.constant 0 : i32
      %dma_wait3A_67 = tpu.memref_slice %arg2[%add3A, %dma_wait3A_65, %dma_wait3A_66] : memref<32x125x80xi32, #tpu.memory_space<hbm>> -> memref<1x125x80xi32, #tpu.memory_space<hbm>>
      %dma_wait3A_68 = tpu.memref_squeeze %dma_wait3A_67 : memref<1x125x80xi32, #tpu.memory_space<hbm>> -> memref<125x80xi32, #tpu.memory_space<hbm>>
      tpu.wait_dma2 semaphore(%run_scoped3A : memref<!tpu.dma_semaphore, #tpu.memory_space<semaphore_mem>>) src(%dma_wait3A_68 : memref<125x80xi32, #tpu.memory_space<hbm>>) dst(%arg5 : memref<125x80xi32, #tpu.memory_space<vmem>>)
      tpu.yield
    }) : () -> ()
    %barrier3A = arith.constant 0 : index
    tpu.barrier barrier_id(%barrier3A)
    %dma_start3A = arith.constant 0 : i32
    %dma_start3A_33 = arith.constant 0 : i32
    %dma_start3A_34 = tpu.memref_slice %arg5[%dma_start3A, %dma_start3A_33] : memref<125x80xi32, #tpu.memory_space<vmem>> -> memref<1x80xi32, #tpu.memory_space<vmem>>
    %dma_start3A_35 = tpu.memref_squeeze %dma_start3A_34 : memref<1x80xi32, #tpu.memory_space<vmem>> -> memref<80xi32, #tpu.memory_space<vmem>>
    %dma_start3A_36 = arith.constant 0 : i32
    %dma_start3A_37 = tpu.memref_slice %arg7[%dma_start3A_36] : memref<10240xf32, #tpu.memory_space<vmem_shared>> -> memref<10240xf32, #tpu.memory_space<vmem_shared>>
    tpu.enqueue_indirect_dma source(%arg6 : memref<80xf32, #tpu.memory_space<vmem>>) target(%dma_start3A_37 : memref<10240xf32, #tpu.memory_space<vmem_shared>>) offsets(%dma_start3A_35 : memref<80xi32, #tpu.memory_space<vmem>>) semaphore(%arg8 : memref<!tpu.dma_semaphore, #tpu.memory_space<semaphore_mem>>) {add = true}
    %scan3A = arith.constant 0 : i32
    %scan3A_38 = arith.constant 1 : i32
    %scan3A_39 = arith.constant 124 : i32
    %scan3A_40 = arith.addi %scan3A_38, %scan3A_39 : i32
    %scan3A_41 = arith.constant 1 : i32
    scf.for %scan3A_53 = %scan3A_38 to %scan3A_40 step %scan3A_41  : i32 {
      %dma_start3A_54 = arith.constant 0 : i32
      %dma_start3A_55 = tpu.memref_slice %arg5[%scan3A_53, %dma_start3A_54] : memref<125x80xi32, #tpu.memory_space<vmem>> -> memref<1x80xi32, #tpu.memory_space<vmem>>
      %dma_start3A_56 = tpu.memref_squeeze %dma_start3A_55 : memref<1x80xi32, #tpu.memory_space<vmem>> -> memref<80xi32, #tpu.memory_space<vmem>>
      %dma_start3A_57 = arith.constant 0 : i32
      %dma_start3A_58 = tpu.memref_slice %arg7[%dma_start3A_57] : memref<10240xf32, #tpu.memory_space<vmem_shared>> -> memref<10240xf32, #tpu.memory_space<vmem_shared>>
      tpu.enqueue_indirect_dma source(%arg6 : memref<80xf32, #tpu.memory_space<vmem>>) target(%dma_start3A_58 : memref<10240xf32, #tpu.memory_space<vmem_shared>>) offsets(%dma_start3A_56 : memref<80xi32, #tpu.memory_space<vmem>>) semaphore(%arg8 : memref<!tpu.dma_semaphore, #tpu.memory_space<semaphore_mem>>) {add = true}
      %sub3A = arith.constant 1 : i32
      %sub3A_59 = arith.subi %scan3A_53, %sub3A : i32
      %dma_wait3A_60 = arith.constant 0 : i32
      %dma_wait3A_61 = tpu.memref_slice %arg5[%sub3A_59, %dma_wait3A_60] : memref<125x80xi32, #tpu.memory_space<vmem>> -> memref<1x80xi32, #tpu.memory_space<vmem>>
      %dma_wait3A_62 = tpu.memref_squeeze %dma_wait3A_61 : memref<1x80xi32, #tpu.memory_space<vmem>> -> memref<80xi32, #tpu.memory_space<vmem>>
      %dma_wait3A_63 = arith.constant 0 : i32
      %dma_wait3A_64 = tpu.memref_slice %arg7[%dma_wait3A_63] : memref<10240xf32, #tpu.memory_space<vmem_shared>> -> memref<10240xf32, #tpu.memory_space<vmem_shared>>
      tpu.wait_indirect_dma semaphore(%arg8 : memref<!tpu.dma_semaphore, #tpu.memory_space<semaphore_mem>>) src(%arg6 : memref<80xf32, #tpu.memory_space<vmem>>) dst(%dma_wait3A_64 : memref<10240xf32, #tpu.memory_space<vmem_shared>>)
    }
    %scan3A_42 = arith.constant 124 : i32
    %dma_wait3A = arith.constant 124 : i32
    %dma_wait3A_43 = arith.constant 0 : i32
    %dma_wait3A_44 = tpu.memref_slice %arg5[%dma_wait3A, %dma_wait3A_43] : memref<125x80xi32, #tpu.memory_space<vmem>> -> memref<1x80xi32, #tpu.memory_space<vmem>>
    %dma_wait3A_45 = tpu.memref_squeeze %dma_wait3A_44 : memref<1x80xi32, #tpu.memory_space<vmem>> -> memref<80xi32, #tpu.memory_space<vmem>>
    %dma_wait3A_46 = arith.constant 0 : i32
    %dma_wait3A_47 = tpu.memref_slice %arg7[%dma_wait3A_46] : memref<10240xf32, #tpu.memory_space<vmem_shared>> -> memref<10240xf32, #tpu.memory_space<vmem_shared>>
    tpu.wait_indirect_dma semaphore(%arg8 : memref<!tpu.dma_semaphore, #tpu.memory_space<semaphore_mem>>) src(%arg6 : memref<80xf32, #tpu.memory_space<vmem>>) dst(%dma_wait3A_47 : memref<10240xf32, #tpu.memory_space<vmem_shared>>)
    %barrier3A_48 = arith.constant 0 : index
    tpu.barrier barrier_id(%barrier3A_48)
    %mul3A_49 = arith.constant 640 : i32
    %mul3A_50 = arith.muli %arg1, %mul3A_49 : i32
    %mul3A_51 = arith.constant 640 : i32
    %mul3A_52 = arith.muli %arg1, %mul3A_51 : i32
    "tpu.region"() ({
      %run_scoped3A = tpu.sem_alloc : memref<!tpu.dma_semaphore, #tpu.memory_space<semaphore_mem>>
      %dma_start3A_53 = arith.constant 0 : i32
      %dma_start3A_54 = tpu.memref_slice %arg4[%arg0, %dma_start3A_53] : memref<2x10240xf32, #tpu.memory_space<hbm>> -> memref<1x10240xf32, #tpu.memory_space<hbm>>
      %dma_start3A_55 = tpu.memref_squeeze %dma_start3A_54 : memref<1x10240xf32, #tpu.memory_space<hbm>> -> memref<10240xf32, #tpu.memory_space<hbm>>
      %dma_start3A_56 = tpu.memref_slice %dma_start3A_55[%mul3A_52] : memref<10240xf32, #tpu.memory_space<hbm>> -> memref<640xf32, #tpu.memory_space<hbm>>
      %dma_start3A_57 = tpu.memref_slice %arg7[%mul3A_50] : memref<10240xf32, #tpu.memory_space<vmem_shared>> -> memref<640xf32, #tpu.memory_space<vmem_shared>>
      tpu.enqueue_dma source(%dma_start3A_57 : memref<640xf32, #tpu.memory_space<vmem_shared>>) target(%dma_start3A_56 : memref<640xf32, #tpu.memory_space<hbm>>) target_semaphore(%run_scoped3A : memref<!tpu.dma_semaphore, #tpu.memory_space<semaphore_mem>>)
      %dma_wait3A_58 = arith.constant 0 : i32
      %dma_wait3A_59 = tpu.memref_slice %arg4[%arg0, %dma_wait3A_58] : memref<2x10240xf32, #tpu.memory_space<hbm>> -> memref<1x10240xf32, #tpu.memory_space<hbm>>
      %dma_wait3A_60 = tpu.memref_squeeze %dma_wait3A_59 : memref<1x10240xf32, #tpu.memory_space<hbm>> -> memref<10240xf32, #tpu.memory_space<hbm>>
      %dma_wait3A_61 = tpu.memref_slice %dma_wait3A_60[%mul3A_52] : memref<10240xf32, #tpu.memory_space<hbm>> -> memref<640xf32, #tpu.memory_space<hbm>>
      %dma_wait3A_62 = tpu.memref_slice %arg7[%mul3A_50] : memref<10240xf32, #tpu.memory_space<vmem_shared>> -> memref<640xf32, #tpu.memory_space<vmem_shared>>
      tpu.wait_dma2 semaphore(%run_scoped3A : memref<!tpu.dma_semaphore, #tpu.memory_space<semaphore_mem>>) src(%dma_wait3A_62 : memref<640xf32, #tpu.memory_space<vmem_shared>>) dst(%dma_wait3A_61 : memref<640xf32, #tpu.memory_space<hbm>>)
      tpu.yield
    }) : () -> ()
    return
  }
}

#map = affine_map<(d0, d1) -> (0, 0)>
#map1 = affine_map<(d0, d1) -> (0, 0, 0)>
module attributes {stable_mosaic.version = 14 : i64} {
  func.func @agg_kernel(%arg0: i32, %arg1: i32, %arg2: memref<10240x32xf32, #tpu.memory_space<hbm>>, %arg3: memref<32x125x80xi32, #tpu.memory_space<hbm>>, %arg4: memref<32x125x80xi32, #tpu.memory_space<hbm>>, %arg5: memref<10240x32xf32, #tpu.memory_space<hbm>>, %arg6: memref<2x10240x32xf32, #tpu.memory_space<hbm>>, %arg7: memref<125x80xi32, #tpu.memory_space<vmem>>, %arg8: memref<125x80xi32, #tpu.memory_space<vmem>>, %arg9: memref<80x32xf32, #tpu.memory_space<vmem>>, %arg10: memref<80x32xf32, #tpu.memory_space<vmem>>, %arg11: memref<10240x32xf32, #tpu.memory_space<vmem_shared>>, %arg12: memref<10240x32xf32, #tpu.memory_space<vmem_shared>>, %arg13: memref<!tpu.dma_semaphore, #tpu.memory_space<semaphore_mem>>, %arg14: memref<!tpu.dma_semaphore, #tpu.memory_space<semaphore_mem>>) attributes {dimension_semantics = [#tpu.dimension_semantics<core_parallel>, #tpu.dimension_semantics<subcore_parallel>], iteration_bounds = array<i64: 2, 16>, scalar_prefetch = 0 : i64, scratch_operands = 8 : i64, tpu.core_type = #tpu.core_type<sc_vector_subcore>, window_params = [{transform_indices = #map}, {transform_indices = #map1}, {transform_indices = #map1}, {transform_indices = #map}, {transform_indices = #map1}]} {
    %mul3A = arith.constant 2 : i32
    %mul3A_0 = arith.muli %arg1, %mul3A : i32
    %add3A = arith.addi %mul3A_0, %arg0 : i32
    %mul3A_1 = arith.constant 640 : i32
    %mul3A_2 = arith.muli %arg1, %mul3A_1 : i32
    %mul3A_3 = arith.constant 640 : i32
    %mul3A_4 = arith.muli %arg1, %mul3A_3 : i32
    "tpu.region"() ({
      %run_scoped3A_31 = tpu.sem_alloc : memref<!tpu.dma_semaphore, #tpu.memory_space<semaphore_mem>>
      %dma_start3A_32 = arith.constant 0 : i32
      %dma_start3A_33 = tpu.memref_slice %arg11[%mul3A_4, %dma_start3A_32] : memref<10240x32xf32, #tpu.memory_space<vmem_shared>> -> memref<640x32xf32, #tpu.memory_space<vmem_shared>>
      %dma_start3A_34 = arith.constant 0 : i32
      %dma_start3A_35 = tpu.memref_slice %arg5[%mul3A_2, %dma_start3A_34] : memref<10240x32xf32, #tpu.memory_space<hbm>> -> memref<640x32xf32, #tpu.memory_space<hbm>>
      tpu.enqueue_dma source(%dma_start3A_35 : memref<640x32xf32, #tpu.memory_space<hbm>>) target(%dma_start3A_33 : memref<640x32xf32, #tpu.memory_space<vmem_shared>>) target_semaphore(%run_scoped3A_31 : memref<!tpu.dma_semaphore, #tpu.memory_space<semaphore_mem>>)
      %dma_wait3A_36 = arith.constant 0 : i32
      %dma_wait3A_37 = tpu.memref_slice %arg11[%mul3A_4, %dma_wait3A_36] : memref<10240x32xf32, #tpu.memory_space<vmem_shared>> -> memref<640x32xf32, #tpu.memory_space<vmem_shared>>
      %dma_wait3A_38 = arith.constant 0 : i32
      %dma_wait3A_39 = tpu.memref_slice %arg5[%mul3A_2, %dma_wait3A_38] : memref<10240x32xf32, #tpu.memory_space<hbm>> -> memref<640x32xf32, #tpu.memory_space<hbm>>
      tpu.wait_dma2 semaphore(%run_scoped3A_31 : memref<!tpu.dma_semaphore, #tpu.memory_space<semaphore_mem>>) src(%dma_wait3A_39 : memref<640x32xf32, #tpu.memory_space<hbm>>) dst(%dma_wait3A_37 : memref<640x32xf32, #tpu.memory_space<vmem_shared>>)
      tpu.yield
    }) : () -> ()
    %mul3A_5 = arith.constant 640 : i32
    %mul3A_6 = arith.muli %arg1, %mul3A_5 : i32
    %mul3A_7 = arith.constant 640 : i32
    %mul3A_8 = arith.muli %arg1, %mul3A_7 : i32
    "tpu.region"() ({
      %run_scoped3A_31 = tpu.sem_alloc : memref<!tpu.dma_semaphore, #tpu.memory_space<semaphore_mem>>
      %dma_start3A_32 = arith.constant 0 : i32
      %dma_start3A_33 = tpu.memref_slice %arg12[%mul3A_8, %dma_start3A_32] : memref<10240x32xf32, #tpu.memory_space<vmem_shared>> -> memref<640x32xf32, #tpu.memory_space<vmem_shared>>
      %dma_start3A_34 = arith.constant 0 : i32
      %dma_start3A_35 = tpu.memref_slice %arg2[%mul3A_6, %dma_start3A_34] : memref<10240x32xf32, #tpu.memory_space<hbm>> -> memref<640x32xf32, #tpu.memory_space<hbm>>
      tpu.enqueue_dma source(%dma_start3A_35 : memref<640x32xf32, #tpu.memory_space<hbm>>) target(%dma_start3A_33 : memref<640x32xf32, #tpu.memory_space<vmem_shared>>) target_semaphore(%run_scoped3A_31 : memref<!tpu.dma_semaphore, #tpu.memory_space<semaphore_mem>>)
      %dma_wait3A_36 = arith.constant 0 : i32
      %dma_wait3A_37 = tpu.memref_slice %arg12[%mul3A_8, %dma_wait3A_36] : memref<10240x32xf32, #tpu.memory_space<vmem_shared>> -> memref<640x32xf32, #tpu.memory_space<vmem_shared>>
      %dma_wait3A_38 = arith.constant 0 : i32
      %dma_wait3A_39 = tpu.memref_slice %arg2[%mul3A_6, %dma_wait3A_38] : memref<10240x32xf32, #tpu.memory_space<hbm>> -> memref<640x32xf32, #tpu.memory_space<hbm>>
      tpu.wait_dma2 semaphore(%run_scoped3A_31 : memref<!tpu.dma_semaphore, #tpu.memory_space<semaphore_mem>>) src(%dma_wait3A_39 : memref<640x32xf32, #tpu.memory_space<hbm>>) dst(%dma_wait3A_37 : memref<640x32xf32, #tpu.memory_space<vmem_shared>>)
      tpu.yield
    }) : () -> ()
    "tpu.region"() ({
      %run_scoped3A_31 = tpu.sem_alloc : memref<!tpu.dma_semaphore, #tpu.memory_space<semaphore_mem>>
      %dma_start3A_32 = arith.constant 0 : i32
      %dma_start3A_33 = arith.constant 0 : i32
      %dma_start3A_34 = tpu.memref_slice %arg3[%add3A, %dma_start3A_32, %dma_start3A_33] : memref<32x125x80xi32, #tpu.memory_space<hbm>> -> memref<1x125x80xi32, #tpu.memory_space<hbm>>
      %dma_start3A_35 = tpu.memref_squeeze %dma_start3A_34 : memref<1x125x80xi32, #tpu.memory_space<hbm>> -> memref<125x80xi32, #tpu.memory_space<hbm>>
      %dma_start3A_36 = arith.constant 0 : i32
      %dma_start3A_37 = arith.constant 0 : i32
      %dma_start3A_38 = tpu.memref_slice %arg3[%add3A, %dma_start3A_36, %dma_start3A_37] : memref<32x125x80xi32, #tpu.memory_space<hbm>> -> memref<1x125x80xi32, #tpu.memory_space<hbm>>
      %dma_start3A_39 = tpu.memref_squeeze %dma_start3A_38 : memref<1x125x80xi32, #tpu.memory_space<hbm>> -> memref<125x80xi32, #tpu.memory_space<hbm>>
      tpu.enqueue_dma source(%dma_start3A_39 : memref<125x80xi32, #tpu.memory_space<hbm>>) target(%arg7 : memref<125x80xi32, #tpu.memory_space<vmem>>) target_semaphore(%run_scoped3A_31 : memref<!tpu.dma_semaphore, #tpu.memory_space<semaphore_mem>>)
      %dma_wait3A_40 = arith.constant 0 : i32
      %dma_wait3A_41 = arith.constant 0 : i32
      %dma_wait3A_42 = tpu.memref_slice %arg3[%add3A, %dma_wait3A_40, %dma_wait3A_41] : memref<32x125x80xi32, #tpu.memory_space<hbm>> -> memref<1x125x80xi32, #tpu.memory_space<hbm>>
      %dma_wait3A_43 = tpu.memref_squeeze %dma_wait3A_42 : memref<1x125x80xi32, #tpu.memory_space<hbm>> -> memref<125x80xi32, #tpu.memory_space<hbm>>
      %dma_wait3A_44 = arith.constant 0 : i32
      %dma_wait3A_45 = arith.constant 0 : i32
      %dma_wait3A_46 = tpu.memref_slice %arg3[%add3A, %dma_wait3A_44, %dma_wait3A_45] : memref<32x125x80xi32, #tpu.memory_space<hbm>> -> memref<1x125x80xi32, #tpu.memory_space<hbm>>
      %dma_wait3A_47 = tpu.memref_squeeze %dma_wait3A_46 : memref<1x125x80xi32, #tpu.memory_space<hbm>> -> memref<125x80xi32, #tpu.memory_space<hbm>>
      tpu.wait_dma2 semaphore(%run_scoped3A_31 : memref<!tpu.dma_semaphore, #tpu.memory_space<semaphore_mem>>) src(%dma_wait3A_47 : memref<125x80xi32, #tpu.memory_space<hbm>>) dst(%arg7 : memref<125x80xi32, #tpu.memory_space<vmem>>)
      tpu.yield
    }) : () -> ()
    "tpu.region"() ({
      %run_scoped3A_31 = tpu.sem_alloc : memref<!tpu.dma_semaphore, #tpu.memory_space<semaphore_mem>>
      %dma_start3A_32 = arith.constant 0 : i32
      %dma_start3A_33 = arith.constant 0 : i32
      %dma_start3A_34 = tpu.memref_slice %arg4[%add3A, %dma_start3A_32, %dma_start3A_33] : memref<32x125x80xi32, #tpu.memory_space<hbm>> -> memref<1x125x80xi32, #tpu.memory_space<hbm>>
      %dma_start3A_35 = tpu.memref_squeeze %dma_start3A_34 : memref<1x125x80xi32, #tpu.memory_space<hbm>> -> memref<125x80xi32, #tpu.memory_space<hbm>>
      %dma_start3A_36 = arith.constant 0 : i32
      %dma_start3A_37 = arith.constant 0 : i32
      %dma_start3A_38 = tpu.memref_slice %arg4[%add3A, %dma_start3A_36, %dma_start3A_37] : memref<32x125x80xi32, #tpu.memory_space<hbm>> -> memref<1x125x80xi32, #tpu.memory_space<hbm>>
      %dma_start3A_39 = tpu.memref_squeeze %dma_start3A_38 : memref<1x125x80xi32, #tpu.memory_space<hbm>> -> memref<125x80xi32, #tpu.memory_space<hbm>>
      tpu.enqueue_dma source(%dma_start3A_39 : memref<125x80xi32, #tpu.memory_space<hbm>>) target(%arg8 : memref<125x80xi32, #tpu.memory_space<vmem>>) target_semaphore(%run_scoped3A_31 : memref<!tpu.dma_semaphore, #tpu.memory_space<semaphore_mem>>)
      %dma_wait3A_40 = arith.constant 0 : i32
      %dma_wait3A_41 = arith.constant 0 : i32
      %dma_wait3A_42 = tpu.memref_slice %arg4[%add3A, %dma_wait3A_40, %dma_wait3A_41] : memref<32x125x80xi32, #tpu.memory_space<hbm>> -> memref<1x125x80xi32, #tpu.memory_space<hbm>>
      %dma_wait3A_43 = tpu.memref_squeeze %dma_wait3A_42 : memref<1x125x80xi32, #tpu.memory_space<hbm>> -> memref<125x80xi32, #tpu.memory_space<hbm>>
      %dma_wait3A_44 = arith.constant 0 : i32
      %dma_wait3A_45 = arith.constant 0 : i32
      %dma_wait3A_46 = tpu.memref_slice %arg4[%add3A, %dma_wait3A_44, %dma_wait3A_45] : memref<32x125x80xi32, #tpu.memory_space<hbm>> -> memref<1x125x80xi32, #tpu.memory_space<hbm>>
      %dma_wait3A_47 = tpu.memref_squeeze %dma_wait3A_46 : memref<1x125x80xi32, #tpu.memory_space<hbm>> -> memref<125x80xi32, #tpu.memory_space<hbm>>
      tpu.wait_dma2 semaphore(%run_scoped3A_31 : memref<!tpu.dma_semaphore, #tpu.memory_space<semaphore_mem>>) src(%dma_wait3A_47 : memref<125x80xi32, #tpu.memory_space<hbm>>) dst(%arg8 : memref<125x80xi32, #tpu.memory_space<vmem>>)
      tpu.yield
    }) : () -> ()
    %barrier3A = arith.constant 0 : index
    tpu.barrier barrier_id(%barrier3A)
    %dma_start3A = arith.constant 0 : i32
    %dma_start3A_9 = arith.constant 0 : i32
    %dma_start3A_10 = tpu.memref_slice %arg7[%dma_start3A, %dma_start3A_9] : memref<125x80xi32, #tpu.memory_space<vmem>> -> memref<1x80xi32, #tpu.memory_space<vmem>>
    %dma_start3A_11 = tpu.memref_squeeze %dma_start3A_10 : memref<1x80xi32, #tpu.memory_space<vmem>> -> memref<80xi32, #tpu.memory_space<vmem>>
    %dma_start3A_12 = arith.constant 0 : i32
    %dma_start3A_13 = arith.constant 0 : i32
    %dma_start3A_14 = tpu.memref_slice %arg12[%dma_start3A_12, %dma_start3A_13] : memref<10240x32xf32, #tpu.memory_space<vmem_shared>> -> memref<10240x32xf32, #tpu.memory_space<vmem_shared>>
    tpu.enqueue_indirect_dma source(%dma_start3A_14 : memref<10240x32xf32, #tpu.memory_space<vmem_shared>>) target(%arg9 : memref<80x32xf32, #tpu.memory_space<vmem>>) offsets(%dma_start3A_11 : memref<80xi32, #tpu.memory_space<vmem>>) semaphore(%arg13 : memref<!tpu.dma_semaphore, #tpu.memory_space<semaphore_mem>>)
    %scan3A = arith.constant 0 : i32
    %scan3A_15 = arith.constant 0 : i32
    %scan3A_16 = arith.constant 62 : i32
    %scan3A_17 = arith.addi %scan3A_15, %scan3A_16 : i32
    %scan3A_18 = arith.constant 1 : i32
    scf.for %scan3A_31 = %scan3A_15 to %scan3A_17 step %scan3A_18  : i32 {
      %mul3A_32 = arith.constant 2 : i32
      %mul3A_33 = arith.muli %mul3A_32, %scan3A_31 : i32
      %add3A_34 = arith.constant 1 : i32
      %add3A_35 = arith.addi %mul3A_33, %add3A_34 : i32
      %dma_wait3A_36 = arith.constant 0 : i32
      %dma_wait3A_37 = tpu.memref_slice %arg7[%mul3A_33, %dma_wait3A_36] : memref<125x80xi32, #tpu.memory_space<vmem>> -> memref<1x80xi32, #tpu.memory_space<vmem>>
      %dma_wait3A_38 = tpu.memref_squeeze %dma_wait3A_37 : memref<1x80xi32, #tpu.memory_space<vmem>> -> memref<80xi32, #tpu.memory_space<vmem>>
      %dma_wait3A_39 = arith.constant 0 : i32
      %dma_wait3A_40 = arith.constant 0 : i32
      %dma_wait3A_41 = tpu.memref_slice %arg12[%dma_wait3A_39, %dma_wait3A_40] : memref<10240x32xf32, #tpu.memory_space<vmem_shared>> -> memref<10240x32xf32, #tpu.memory_space<vmem_shared>>
      tpu.wait_indirect_dma semaphore(%arg13 : memref<!tpu.dma_semaphore, #tpu.memory_space<semaphore_mem>>) src(%dma_wait3A_41 : memref<10240x32xf32, #tpu.memory_space<vmem_shared>>) dst(%arg9 : memref<80x32xf32, #tpu.memory_space<vmem>>)
      %dma_start3A_42 = arith.constant 0 : i32
      %dma_start3A_43 = tpu.memref_slice %arg7[%add3A_35, %dma_start3A_42] : memref<125x80xi32, #tpu.memory_space<vmem>> -> memref<1x80xi32, #tpu.memory_space<vmem>>
      %dma_start3A_44 = tpu.memref_squeeze %dma_start3A_43 : memref<1x80xi32, #tpu.memory_space<vmem>> -> memref<80xi32, #tpu.memory_space<vmem>>
      %dma_start3A_45 = arith.constant 0 : i32
      %dma_start3A_46 = arith.constant 0 : i32
      %dma_start3A_47 = tpu.memref_slice %arg12[%dma_start3A_45, %dma_start3A_46] : memref<10240x32xf32, #tpu.memory_space<vmem_shared>> -> memref<10240x32xf32, #tpu.memory_space<vmem_shared>>
      tpu.enqueue_indirect_dma source(%dma_start3A_47 : memref<10240x32xf32, #tpu.memory_space<vmem_shared>>) target(%arg10 : memref<80x32xf32, #tpu.memory_space<vmem>>) offsets(%dma_start3A_44 : memref<80xi32, #tpu.memory_space<vmem>>) semaphore(%arg14 : memref<!tpu.dma_semaphore, #tpu.memory_space<semaphore_mem>>)
      "tpu.region"() ({
        %run_scoped3A_62 = tpu.sem_alloc : memref<!tpu.dma_semaphore, #tpu.memory_space<semaphore_mem>>
        %dma_start3A_63 = arith.constant 0 : i32
        %dma_start3A_64 = tpu.memref_slice %arg8[%mul3A_33, %dma_start3A_63] : memref<125x80xi32, #tpu.memory_space<vmem>> -> memref<1x80xi32, #tpu.memory_space<vmem>>
        %dma_start3A_65 = tpu.memref_squeeze %dma_start3A_64 : memref<1x80xi32, #tpu.memory_space<vmem>> -> memref<80xi32, #tpu.memory_space<vmem>>
        %dma_start3A_66 = arith.constant 0 : i32
        %dma_start3A_67 = arith.constant 0 : i32
        %dma_start3A_68 = tpu.memref_slice %arg11[%dma_start3A_66, %dma_start3A_67] : memref<10240x32xf32, #tpu.memory_space<vmem_shared>> -> memref<10240x32xf32, #tpu.memory_space<vmem_shared>>
        tpu.enqueue_indirect_dma source(%arg9 : memref<80x32xf32, #tpu.memory_space<vmem>>) target(%dma_start3A_68 : memref<10240x32xf32, #tpu.memory_space<vmem_shared>>) offsets(%dma_start3A_65 : memref<80xi32, #tpu.memory_space<vmem>>) semaphore(%run_scoped3A_62 : memref<!tpu.dma_semaphore, #tpu.memory_space<semaphore_mem>>) {add = true}
        %dma_wait3A_69 = arith.constant 0 : i32
        %dma_wait3A_70 = tpu.memref_slice %arg8[%mul3A_33, %dma_wait3A_69] : memref<125x80xi32, #tpu.memory_space<vmem>> -> memref<1x80xi32, #tpu.memory_space<vmem>>
        %dma_wait3A_71 = tpu.memref_squeeze %dma_wait3A_70 : memref<1x80xi32, #tpu.memory_space<vmem>> -> memref<80xi32, #tpu.memory_space<vmem>>
        %dma_wait3A_72 = arith.constant 0 : i32
        %dma_wait3A_73 = arith.constant 0 : i32
        %dma_wait3A_74 = tpu.memref_slice %arg11[%dma_wait3A_72, %dma_wait3A_73] : memref<10240x32xf32, #tpu.memory_space<vmem_shared>> -> memref<10240x32xf32, #tpu.memory_space<vmem_shared>>
        tpu.wait_indirect_dma semaphore(%run_scoped3A_62 : memref<!tpu.dma_semaphore, #tpu.memory_space<semaphore_mem>>) src(%arg9 : memref<80x32xf32, #tpu.memory_space<vmem>>) dst(%dma_wait3A_74 : memref<10240x32xf32, #tpu.memory_space<vmem_shared>>)
        tpu.yield
      }) : () -> ()
      %dma_wait3A_48 = arith.constant 0 : i32
      %dma_wait3A_49 = tpu.memref_slice %arg7[%add3A_35, %dma_wait3A_48] : memref<125x80xi32, #tpu.memory_space<vmem>> -> memref<1x80xi32, #tpu.memory_space<vmem>>
      %dma_wait3A_50 = tpu.memref_squeeze %dma_wait3A_49 : memref<1x80xi32, #tpu.memory_space<vmem>> -> memref<80xi32, #tpu.memory_space<vmem>>
      %dma_wait3A_51 = arith.constant 0 : i32
      %dma_wait3A_52 = arith.constant 0 : i32
      %dma_wait3A_53 = tpu.memref_slice %arg12[%dma_wait3A_51, %dma_wait3A_52] : memref<10240x32xf32, #tpu.memory_space<vmem_shared>> -> memref<10240x32xf32, #tpu.memory_space<vmem_shared>>
      tpu.wait_indirect_dma semaphore(%arg14 : memref<!tpu.dma_semaphore, #tpu.memory_space<semaphore_mem>>) src(%dma_wait3A_53 : memref<10240x32xf32, #tpu.memory_space<vmem_shared>>) dst(%arg10 : memref<80x32xf32, #tpu.memory_space<vmem>>)
      %add3A_54 = arith.constant 2 : i32
      %add3A_55 = arith.addi %mul3A_33, %add3A_54 : i32
      %dma_start3A_56 = arith.constant 0 : i32
      %dma_start3A_57 = tpu.memref_slice %arg7[%add3A_55, %dma_start3A_56] : memref<125x80xi32, #tpu.memory_space<vmem>> -> memref<1x80xi32, #tpu.memory_space<vmem>>
      %dma_start3A_58 = tpu.memref_squeeze %dma_start3A_57 : memref<1x80xi32, #tpu.memory_space<vmem>> -> memref<80xi32, #tpu.memory_space<vmem>>
      %dma_start3A_59 = arith.constant 0 : i32
      %dma_start3A_60 = arith.constant 0 : i32
      %dma_start3A_61 = tpu.memref_slice %arg12[%dma_start3A_59, %dma_start3A_60] : memref<10240x32xf32, #tpu.memory_space<vmem_shared>> -> memref<10240x32xf32, #tpu.memory_space<vmem_shared>>
      tpu.enqueue_indirect_dma source(%dma_start3A_61 : memref<10240x32xf32, #tpu.memory_space<vmem_shared>>) target(%arg9 : memref<80x32xf32, #tpu.memory_space<vmem>>) offsets(%dma_start3A_58 : memref<80xi32, #tpu.memory_space<vmem>>) semaphore(%arg13 : memref<!tpu.dma_semaphore, #tpu.memory_space<semaphore_mem>>)
      "tpu.region"() ({
        %run_scoped3A_62 = tpu.sem_alloc : memref<!tpu.dma_semaphore, #tpu.memory_space<semaphore_mem>>
        %dma_start3A_63 = arith.constant 0 : i32
        %dma_start3A_64 = tpu.memref_slice %arg8[%add3A_35, %dma_start3A_63] : memref<125x80xi32, #tpu.memory_space<vmem>> -> memref<1x80xi32, #tpu.memory_space<vmem>>
        %dma_start3A_65 = tpu.memref_squeeze %dma_start3A_64 : memref<1x80xi32, #tpu.memory_space<vmem>> -> memref<80xi32, #tpu.memory_space<vmem>>
        %dma_start3A_66 = arith.constant 0 : i32
        %dma_start3A_67 = arith.constant 0 : i32
        %dma_start3A_68 = tpu.memref_slice %arg11[%dma_start3A_66, %dma_start3A_67] : memref<10240x32xf32, #tpu.memory_space<vmem_shared>> -> memref<10240x32xf32, #tpu.memory_space<vmem_shared>>
        tpu.enqueue_indirect_dma source(%arg10 : memref<80x32xf32, #tpu.memory_space<vmem>>) target(%dma_start3A_68 : memref<10240x32xf32, #tpu.memory_space<vmem_shared>>) offsets(%dma_start3A_65 : memref<80xi32, #tpu.memory_space<vmem>>) semaphore(%run_scoped3A_62 : memref<!tpu.dma_semaphore, #tpu.memory_space<semaphore_mem>>) {add = true}
        %dma_wait3A_69 = arith.constant 0 : i32
        %dma_wait3A_70 = tpu.memref_slice %arg8[%add3A_35, %dma_wait3A_69] : memref<125x80xi32, #tpu.memory_space<vmem>> -> memref<1x80xi32, #tpu.memory_space<vmem>>
        %dma_wait3A_71 = tpu.memref_squeeze %dma_wait3A_70 : memref<1x80xi32, #tpu.memory_space<vmem>> -> memref<80xi32, #tpu.memory_space<vmem>>
        %dma_wait3A_72 = arith.constant 0 : i32
        %dma_wait3A_73 = arith.constant 0 : i32
        %dma_wait3A_74 = tpu.memref_slice %arg11[%dma_wait3A_72, %dma_wait3A_73] : memref<10240x32xf32, #tpu.memory_space<vmem_shared>> -> memref<10240x32xf32, #tpu.memory_space<vmem_shared>>
        tpu.wait_indirect_dma semaphore(%run_scoped3A_62 : memref<!tpu.dma_semaphore, #tpu.memory_space<semaphore_mem>>) src(%arg10 : memref<80x32xf32, #tpu.memory_space<vmem>>) dst(%dma_wait3A_74 : memref<10240x32xf32, #tpu.memory_space<vmem_shared>>)
        tpu.yield
      }) : () -> ()
    }
    %scan3A_19 = arith.constant 62 : i32
    %dma_wait3A = arith.constant 124 : i32
    %dma_wait3A_20 = arith.constant 0 : i32
    %dma_wait3A_21 = tpu.memref_slice %arg7[%dma_wait3A, %dma_wait3A_20] : memref<125x80xi32, #tpu.memory_space<vmem>> -> memref<1x80xi32, #tpu.memory_space<vmem>>
    %dma_wait3A_22 = tpu.memref_squeeze %dma_wait3A_21 : memref<1x80xi32, #tpu.memory_space<vmem>> -> memref<80xi32, #tpu.memory_space<vmem>>
    %dma_wait3A_23 = arith.constant 0 : i32
    %dma_wait3A_24 = arith.constant 0 : i32
    %dma_wait3A_25 = tpu.memref_slice %arg12[%dma_wait3A_23, %dma_wait3A_24] : memref<10240x32xf32, #tpu.memory_space<vmem_shared>> -> memref<10240x32xf32, #tpu.memory_space<vmem_shared>>
    tpu.wait_indirect_dma semaphore(%arg13 : memref<!tpu.dma_semaphore, #tpu.memory_space<semaphore_mem>>) src(%dma_wait3A_25 : memref<10240x32xf32, #tpu.memory_space<vmem_shared>>) dst(%arg9 : memref<80x32xf32, #tpu.memory_space<vmem>>)
    %run_scoped3A = arith.constant 124 : i32
    "tpu.region"() ({
      %run_scoped3A_31 = tpu.sem_alloc : memref<!tpu.dma_semaphore, #tpu.memory_space<semaphore_mem>>
      %dma_start3A_32 = arith.constant 0 : i32
      %dma_start3A_33 = tpu.memref_slice %arg8[%run_scoped3A, %dma_start3A_32] : memref<125x80xi32, #tpu.memory_space<vmem>> -> memref<1x80xi32, #tpu.memory_space<vmem>>
      %dma_start3A_34 = tpu.memref_squeeze %dma_start3A_33 : memref<1x80xi32, #tpu.memory_space<vmem>> -> memref<80xi32, #tpu.memory_space<vmem>>
      %dma_start3A_35 = arith.constant 0 : i32
      %dma_start3A_36 = arith.constant 0 : i32
      %dma_start3A_37 = tpu.memref_slice %arg11[%dma_start3A_35, %dma_start3A_36] : memref<10240x32xf32, #tpu.memory_space<vmem_shared>> -> memref<10240x32xf32, #tpu.memory_space<vmem_shared>>
      tpu.enqueue_indirect_dma source(%arg9 : memref<80x32xf32, #tpu.memory_space<vmem>>) target(%dma_start3A_37 : memref<10240x32xf32, #tpu.memory_space<vmem_shared>>) offsets(%dma_start3A_34 : memref<80xi32, #tpu.memory_space<vmem>>) semaphore(%run_scoped3A_31 : memref<!tpu.dma_semaphore, #tpu.memory_space<semaphore_mem>>) {add = true}
      %dma_wait3A_38 = arith.constant 0 : i32
      %dma_wait3A_39 = tpu.memref_slice %arg8[%run_scoped3A, %dma_wait3A_38] : memref<125x80xi32, #tpu.memory_space<vmem>> -> memref<1x80xi32, #tpu.memory_space<vmem>>
      %dma_wait3A_40 = tpu.memref_squeeze %dma_wait3A_39 : memref<1x80xi32, #tpu.memory_space<vmem>> -> memref<80xi32, #tpu.memory_space<vmem>>
      %dma_wait3A_41 = arith.constant 0 : i32
      %dma_wait3A_42 = arith.constant 0 : i32
      %dma_wait3A_43 = tpu.memref_slice %arg11[%dma_wait3A_41, %dma_wait3A_42] : memref<10240x32xf32, #tpu.memory_space<vmem_shared>> -> memref<10240x32xf32, #tpu.memory_space<vmem_shared>>
      tpu.wait_indirect_dma semaphore(%run_scoped3A_31 : memref<!tpu.dma_semaphore, #tpu.memory_space<semaphore_mem>>) src(%arg9 : memref<80x32xf32, #tpu.memory_space<vmem>>) dst(%dma_wait3A_43 : memref<10240x32xf32, #tpu.memory_space<vmem_shared>>)
      tpu.yield
    }) : () -> ()
    %barrier3A_26 = arith.constant 0 : index
    tpu.barrier barrier_id(%barrier3A_26)
    %mul3A_27 = arith.constant 640 : i32
    %mul3A_28 = arith.muli %arg1, %mul3A_27 : i32
    %mul3A_29 = arith.constant 640 : i32
    %mul3A_30 = arith.muli %arg1, %mul3A_29 : i32
    "tpu.region"() ({
      %run_scoped3A_31 = tpu.sem_alloc : memref<!tpu.dma_semaphore, #tpu.memory_space<semaphore_mem>>
      %dma_start3A_32 = arith.constant 0 : i32
      %dma_start3A_33 = arith.constant 0 : i32
      %dma_start3A_34 = tpu.memref_slice %arg6[%arg0, %dma_start3A_32, %dma_start3A_33] : memref<2x10240x32xf32, #tpu.memory_space<hbm>> -> memref<1x10240x32xf32, #tpu.memory_space<hbm>>
      %dma_start3A_35 = tpu.memref_squeeze %dma_start3A_34 : memref<1x10240x32xf32, #tpu.memory_space<hbm>> -> memref<10240x32xf32, #tpu.memory_space<hbm>>
      %dma_start3A_36 = arith.constant 0 : i32
      %dma_start3A_37 = tpu.memref_slice %dma_start3A_35[%mul3A_30, %dma_start3A_36] : memref<10240x32xf32, #tpu.memory_space<hbm>> -> memref<640x32xf32, #tpu.memory_space<hbm>>
      %dma_start3A_38 = arith.constant 0 : i32
      %dma_start3A_39 = tpu.memref_slice %arg11[%mul3A_28, %dma_start3A_38] : memref<10240x32xf32, #tpu.memory_space<vmem_shared>> -> memref<640x32xf32, #tpu.memory_space<vmem_shared>>
      tpu.enqueue_dma source(%dma_start3A_39 : memref<640x32xf32, #tpu.memory_space<vmem_shared>>) target(%dma_start3A_37 : memref<640x32xf32, #tpu.memory_space<hbm>>) target_semaphore(%run_scoped3A_31 : memref<!tpu.dma_semaphore, #tpu.memory_space<semaphore_mem>>)
      %dma_wait3A_40 = arith.constant 0 : i32
      %dma_wait3A_41 = arith.constant 0 : i32
      %dma_wait3A_42 = tpu.memref_slice %arg6[%arg0, %dma_wait3A_40, %dma_wait3A_41] : memref<2x10240x32xf32, #tpu.memory_space<hbm>> -> memref<1x10240x32xf32, #tpu.memory_space<hbm>>
      %dma_wait3A_43 = tpu.memref_squeeze %dma_wait3A_42 : memref<1x10240x32xf32, #tpu.memory_space<hbm>> -> memref<10240x32xf32, #tpu.memory_space<hbm>>
      %dma_wait3A_44 = arith.constant 0 : i32
      %dma_wait3A_45 = tpu.memref_slice %dma_wait3A_43[%mul3A_30, %dma_wait3A_44] : memref<10240x32xf32, #tpu.memory_space<hbm>> -> memref<640x32xf32, #tpu.memory_space<hbm>>
      %dma_wait3A_46 = arith.constant 0 : i32
      %dma_wait3A_47 = tpu.memref_slice %arg11[%mul3A_28, %dma_wait3A_46] : memref<10240x32xf32, #tpu.memory_space<vmem_shared>> -> memref<640x32xf32, #tpu.memory_space<vmem_shared>>
      tpu.wait_dma2 semaphore(%run_scoped3A_31 : memref<!tpu.dma_semaphore, #tpu.memory_space<semaphore_mem>>) src(%dma_wait3A_47 : memref<640x32xf32, #tpu.memory_space<vmem_shared>>) dst(%dma_wait3A_45 : memref<640x32xf32, #tpu.memory_space<hbm>>)
      tpu.yield
    }) : () -> ()
    return
  }
}

module attributes {stable_mosaic.version = 14 : i64} {
  func.func @_mm1_body(%arg0: i32, %arg1: memref<1000x256xf32, #tpu.memory_space<vmem>>, %arg2: memref<256x128xf32, #tpu.memory_space<vmem>>, %arg3: memref<1000x128xf32, #tpu.memory_space<vmem>>) attributes {dimension_semantics = [#tpu.dimension_semantics<arbitrary>], iteration_bounds = array<i64: 5>, scalar_prefetch = 0 : i64, scratch_operands = 0 : i64, tpu.core_type = #tpu.core_type<tc>, window_params = [{transform_indices = @transform_0, window_bounds = array<i64: 1000, 256>}, {pipeline_mode = #tpu.pipeline_mode<synchronous>, transform_indices = @transform_1, window_bounds = array<i64: 256, 128>}, {transform_indices = @transform_2, window_bounds = array<i64: 1000, 128>}]} {
    %get3A = arith.constant 0 : index
    %get3A_0 = arith.constant 0 : index
    %get3A_1 = vector.load %arg1[%get3A, %get3A_0] : memref<1000x256xf32, #tpu.memory_space<vmem>>, vector<1000x256xf32>
    %get3A_2 = arith.constant 0 : index
    %get3A_3 = arith.constant 0 : index
    %get3A_4 = vector.load %arg2[%get3A_2, %get3A_3] : memref<256x128xf32, #tpu.memory_space<vmem>>, vector<256x128xf32>
    %dot_general3A = arith.constant dense<0.000000e+00> : vector<1000x128xf32>
    %dot_general3A_5 = tpu.matmul %get3A_1, %get3A_4, %dot_general3A {dimension_numbers = #tpu.dot_dimension_numbers<[1], [0], [0], [1], [0, 0, 1, 1], [], []>, transpose_lhs_hint = false} : vector<1000x256xf32>, vector<256x128xf32>, vector<1000x128xf32> -> vector<1000x128xf32>
    %swap3A = arith.constant 0 : index
    %swap3A_6 = arith.constant 0 : index
    %swap3A_7 = vector.load %arg3[%swap3A, %swap3A_6] : memref<1000x128xf32, #tpu.memory_space<vmem>>, vector<1000x128xf32>
    tpu.vector_store %arg3[%swap3A, %swap3A_6], %dot_general3A_5 {strides = array<i32>} : memref<1000x128xf32, #tpu.memory_space<vmem>>, vector<1000x128xf32>,
    return
  }
  func.func @transform_0(%arg0: i32) -> (i32, i32) {
    %c0_i32 = arith.constant 0 : i32
    %c0_i32_0 = arith.constant 0 : i32
    return %arg0, %c0_i32 : i32, i32
  }
  func.func @transform_1(%arg0: i32) -> (i32, i32) {
    %c0_i32 = arith.constant 0 : i32
    %c0_i32_0 = arith.constant 0 : i32
    %c0_i32_1 = arith.constant 0 : i32
    return %c0_i32, %c0_i32_0 : i32, i32
  }
  func.func @transform_2(%arg0: i32) -> (i32, i32) {
    %c0_i32 = arith.constant 0 : i32
    %c0_i32_0 = arith.constant 0 : i32
    return %arg0, %c0_i32 : i32, i32
  }
}

module attributes {stable_mosaic.version = 14 : i64} {
  func.func @_scale_body(%arg0: i32, %arg1: memref<2x1000x2xf32, #tpu.memory_space<vmem>>, %arg2: memref<1000x128xf32, #tpu.memory_space<vmem>>, %arg3: memref<2x128xf32, #tpu.memory_space<vmem>>, %arg4: memref<1000x128xf32, #tpu.memory_space<vmem>>) attributes {dimension_semantics = [#tpu.dimension_semantics<arbitrary>], iteration_bounds = array<i64: 5>, scalar_prefetch = 0 : i64, scratch_operands = 0 : i64, tpu.core_type = #tpu.core_type<tc>, window_params = [{transform_indices = @transform_0, window_bounds = array<i64: 2, 1000, 2>}, {transform_indices = @transform_1, window_bounds = array<i64: 1000, 128>}, {pipeline_mode = #tpu.pipeline_mode<synchronous>, transform_indices = @transform_2, window_bounds = array<i64: 2, 128>}, {transform_indices = @transform_3, window_bounds = array<i64: 1000, 128>}]} {
    %get3A = arith.constant 0 : index
    %get3A_0 = arith.constant 0 : index
    %get3A_1 = arith.constant 0 : index
    %get3A_2 = vector.load %arg1[%get3A, %get3A_0, %get3A_1] : memref<2x1000x2xf32, #tpu.memory_space<vmem>>, vector<1x1000x2xf32>
    %get3A_3 = vector.shape_cast %get3A_2 : vector<1x1000x2xf32> to vector<1000x2xf32>
    %get3A_4 = arith.constant 1 : index
    %get3A_5 = arith.constant 0 : index
    %get3A_6 = arith.constant 0 : index
    %get3A_7 = vector.load %arg1[%get3A_4, %get3A_5, %get3A_6] : memref<2x1000x2xf32, #tpu.memory_space<vmem>>, vector<1x1000x2xf32>
    %get3A_8 = vector.shape_cast %get3A_7 : vector<1x1000x2xf32> to vector<1000x2xf32>
    %add3A = arith.addf %get3A_3, %get3A_8 : vector<1000x2xf32>
    %add3A_9 = arith.constant 1.000000e+00 : f32
    %add3A_10 = vector.broadcast %add3A_9 : f32 to vector<1000x2xf32>
    %add3A_11 = arith.addf %add3A, %add3A_10 : vector<1000x2xf32>
    %rsqrt3A = math.rsqrt %add3A_11 : vector<1000x2xf32>
    %get3A_12 = arith.constant 0 : index
    %get3A_13 = arith.constant 0 : index
    %get3A_14 = vector.load %arg3[%get3A_12, %get3A_13] : memref<2x128xf32, #tpu.memory_space<vmem>>, vector<2x128xf32>
    %dot_general3A = arith.constant dense<0.000000e+00> : vector<1000x128xf32>
    %dot_general3A_15 = tpu.matmul %rsqrt3A, %get3A_14, %dot_general3A {dimension_numbers = #tpu.dot_dimension_numbers<[1], [0], [0], [1], [0, 0, 1, 1], [], []>, precision = #tpu.contract_precision<fp32>, transpose_lhs_hint = false} : vector<1000x2xf32>, vector<2x128xf32>, vector<1000x128xf32> -> vector<1000x128xf32>
    %get3A_16 = arith.constant 0 : index
    %get3A_17 = arith.constant 0 : index
    %get3A_18 = vector.load %arg2[%get3A_16, %get3A_17] : memref<1000x128xf32, #tpu.memory_space<vmem>>, vector<1000x128xf32>
    %mul3A = arith.mulf %get3A_18, %dot_general3A_15 : vector<1000x128xf32>
    %swap3A = arith.constant 0 : index
    %swap3A_19 = arith.constant 0 : index
    %swap3A_20 = vector.load %arg4[%swap3A, %swap3A_19] : memref<1000x128xf32, #tpu.memory_space<vmem>>, vector<1000x128xf32>
    tpu.vector_store %arg4[%swap3A, %swap3A_19], %mul3A {strides = array<i32>} : memref<1000x128xf32, #tpu.memory_space<vmem>>, vector<1000x128xf32>,
    return
  }
  func.func @transform_0(%arg0: i32) -> (i32, i32, i32) {
    %c0_i32 = arith.constant 0 : i32
    %c0_i32_0 = arith.constant 0 : i32
    %c0_i32_1 = arith.constant 0 : i32
    return %c0_i32, %arg0, %c0_i32_0 : i32, i32, i32
  }
  func.func @transform_1(%arg0: i32) -> (i32, i32) {
    %c0_i32 = arith.constant 0 : i32
    %c0_i32_0 = arith.constant 0 : i32
    return %arg0, %c0_i32 : i32, i32
  }
  func.func @transform_2(%arg0: i32) -> (i32, i32) {
    %c0_i32 = arith.constant 0 : i32
    %c0_i32_0 = arith.constant 0 : i32
    %c0_i32_1 = arith.constant 0 : i32
    return %c0_i32, %c0_i32_0 : i32, i32
  }
  func.func @transform_3(%arg0: i32) -> (i32, i32) {
    %c0_i32 = arith.constant 0 : i32
    %c0_i32_0 = arith.constant 0 : i32
    return %arg0, %c0_i32 : i32, i32
  }
}

module attributes {stable_mosaic.version = 14 : i64} {
  func.func @_mid_body(%arg0: i32, %arg1: memref<2x640x4xf32, #tpu.memory_space<vmem>>, %arg2: memref<2x640x256xf32, #tpu.memory_space<vmem>>, %arg3: memref<640x256xf32, #tpu.memory_space<vmem>>, %arg4: memref<1x256xf32, #tpu.memory_space<vmem>>, %arg5: memref<256x128xf32, #tpu.memory_space<vmem>>, %arg6: memref<4x256xf32, #tpu.memory_space<vmem>>, %arg7: memref<4x128xf32, #tpu.memory_space<vmem>>, %arg8: memref<640x128xf32, #tpu.memory_space<vmem>>) attributes {dimension_semantics = [#tpu.dimension_semantics<arbitrary>], iteration_bounds = array<i64: 4>, scalar_prefetch = 0 : i64, scratch_operands = 0 : i64, tpu.core_type = #tpu.core_type<tc>, window_params = [{transform_indices = @transform_0, window_bounds = array<i64: 2, 640, 4>}, {transform_indices = @transform_1, window_bounds = array<i64: 2, 640, 256>}, {transform_indices = @transform_2, window_bounds = array<i64: 640, 256>}, {pipeline_mode = #tpu.pipeline_mode<synchronous>, transform_indices = @transform_3, window_bounds = array<i64: 1, 256>}, {pipeline_mode = #tpu.pipeline_mode<synchronous>, transform_indices = @transform_4, window_bounds = array<i64: 256, 128>}, {pipeline_mode = #tpu.pipeline_mode<synchronous>, transform_indices = @transform_5, window_bounds = array<i64: 4, 256>}, {pipeline_mode = #tpu.pipeline_mode<synchronous>, transform_indices = @transform_6, window_bounds = array<i64: 4, 128>}, {transform_indices = @transform_7, window_bounds = array<i64: 640, 128>}]} {
    %get3A = arith.constant 0 : index
    %get3A_0 = arith.constant 0 : index
    %get3A_1 = arith.constant 0 : index
    %get3A_2 = vector.load %arg1[%get3A, %get3A_0, %get3A_1] : memref<2x640x4xf32, #tpu.memory_space<vmem>>, vector<1x640x4xf32>
    %get3A_3 = vector.shape_cast %get3A_2 : vector<1x640x4xf32> to vector<640x4xf32>
    %get3A_4 = arith.constant 1 : index
    %get3A_5 = arith.constant 0 : index
    %get3A_6 = arith.constant 0 : index
    %get3A_7 = vector.load %arg1[%get3A_4, %get3A_5, %get3A_6] : memref<2x640x4xf32, #tpu.memory_space<vmem>>, vector<1x640x4xf32>
    %get3A_8 = vector.shape_cast %get3A_7 : vector<1x640x4xf32> to vector<640x4xf32>
    %add3A = arith.addf %get3A_3, %get3A_8 : vector<640x4xf32>
    %add3A_9 = arith.constant 1.000000e+00 : f32
    %add3A_10 = vector.broadcast %add3A_9 : f32 to vector<640x4xf32>
    %add3A_11 = arith.addf %add3A, %add3A_10 : vector<640x4xf32>
    %rsqrt3A = math.rsqrt %add3A_11 : vector<640x4xf32>
    %get3A_12 = arith.constant 0 : index
    %get3A_13 = arith.constant 0 : index
    %get3A_14 = vector.load %arg6[%get3A_12, %get3A_13] : memref<4x256xf32, #tpu.memory_space<vmem>>, vector<4x256xf32>
    %dot_general3A = arith.constant dense<0.000000e+00> : vector<640x256xf32>
    %dot_general3A_15 = tpu.matmul %rsqrt3A, %get3A_14, %dot_general3A {dimension_numbers = #tpu.dot_dimension_numbers<[1], [0], [0], [1], [0, 0, 1, 1], [], []>, precision = #tpu.contract_precision<fp32>, transpose_lhs_hint = false} : vector<640x4xf32>, vector<4x256xf32>, vector<640x256xf32> -> vector<640x256xf32>
    %get3A_16 = arith.constant 0 : index
    %get3A_17 = arith.constant 0 : index
    %get3A_18 = arith.constant 0 : index
    %get3A_19 = vector.load %arg2[%get3A_16, %get3A_17, %get3A_18] : memref<2x640x256xf32, #tpu.memory_space<vmem>>, vector<1x640x256xf32>
    %get3A_20 = vector.shape_cast %get3A_19 : vector<1x640x256xf32> to vector<640x256xf32>
    %get3A_21 = arith.constant 1 : index
    %get3A_22 = arith.constant 0 : index
    %get3A_23 = arith.constant 0 : index
    %get3A_24 = vector.load %arg2[%get3A_21, %get3A_22, %get3A_23] : memref<2x640x256xf32, #tpu.memory_space<vmem>>, vector<1x640x256xf32>
    %get3A_25 = vector.shape_cast %get3A_24 : vector<1x640x256xf32> to vector<640x256xf32>
    %add3A_26 = arith.addf %get3A_20, %get3A_25 : vector<640x256xf32>
    %get3A_27 = arith.constant 0 : index
    %get3A_28 = arith.constant 0 : index
    %get3A_29 = vector.load %arg3[%get3A_27, %get3A_28] : memref<640x256xf32, #tpu.memory_space<vmem>>, vector<640x256xf32>
    %add3A_30 = arith.addf %add3A_26, %get3A_29 : vector<640x256xf32>
    %mul3A = arith.mulf %add3A_30, %dot_general3A_15 : vector<640x256xf32>
    %get3A_31 = arith.constant 0 : index
    %get3A_32 = arith.constant 0 : index
    %get3A_33 = vector.load %arg4[%get3A_31, %get3A_32] : memref<1x256xf32, #tpu.memory_space<vmem>>, vector<1x256xf32>
    %add3A_34 = vector.broadcast %get3A_33 : vector<1x256xf32> to vector<640x256xf32>
    %add3A_35 = arith.addf %mul3A, %add3A_34 : vector<640x256xf32>
    %ge3A = arith.constant 0.000000e+00 : f32
    %ge3A_36 = vector.broadcast %ge3A : f32 to vector<640x256xf32>
    %ge3A_37 = arith.cmpf oge, %add3A_35, %ge3A_36 : vector<640x256xf32>
    %mul3A_38 = arith.constant 0.00999999977 : f32
    %mul3A_39 = vector.broadcast %mul3A_38 : f32 to vector<640x256xf32>
    %mul3A_40 = arith.mulf %mul3A_39, %add3A_35 : vector<640x256xf32>
    %select_n3A = arith.select %ge3A_37, %add3A_35, %mul3A_40 : vector<640x256xi1>, vector<640x256xf32>
    %get3A_41 = arith.constant 0 : index
    %get3A_42 = arith.constant 0 : index
    %get3A_43 = vector.load %arg5[%get3A_41, %get3A_42] : memref<256x128xf32, #tpu.memory_space<vmem>>, vector<256x128xf32>
    %dot_general3A_44 = arith.constant dense<0.000000e+00> : vector<640x128xf32>
    %dot_general3A_45 = tpu.matmul %select_n3A, %get3A_43, %dot_general3A_44 {dimension_numbers = #tpu.dot_dimension_numbers<[1], [0], [0], [1], [0, 0, 1, 1], [], []>, transpose_lhs_hint = false} : vector<640x256xf32>, vector<256x128xf32>, vector<640x128xf32> -> vector<640x128xf32>
    %get3A_46 = arith.constant 0 : index
    %get3A_47 = arith.constant 0 : index
    %get3A_48 = vector.load %arg7[%get3A_46, %get3A_47] : memref<4x128xf32, #tpu.memory_space<vmem>>, vector<4x128xf32>
    %dot_general3A_49 = arith.constant dense<0.000000e+00> : vector<640x128xf32>
    %dot_general3A_50 = tpu.matmul %rsqrt3A, %get3A_48, %dot_general3A_49 {dimension_numbers = #tpu.dot_dimension_numbers<[1], [0], [0], [1], [0, 0, 1, 1], [], []>, precision = #tpu.contract_precision<fp32>, transpose_lhs_hint = false} : vector<640x4xf32>, vector<4x128xf32>, vector<640x128xf32> -> vector<640x128xf32>
    %mul3A_51 = arith.mulf %dot_general3A_45, %dot_general3A_50 : vector<640x128xf32>
    %swap3A = arith.constant 0 : index
    %swap3A_52 = arith.constant 0 : index
    %swap3A_53 = vector.load %arg8[%swap3A, %swap3A_52] : memref<640x128xf32, #tpu.memory_space<vmem>>, vector<640x128xf32>
    tpu.vector_store %arg8[%swap3A, %swap3A_52], %mul3A_51 {strides = array<i32>} : memref<640x128xf32, #tpu.memory_space<vmem>>, vector<640x128xf32>,
    return
  }
  func.func @transform_0(%arg0: i32) -> (i32, i32, i32) {
    %c0_i32 = arith.constant 0 : i32
    %c0_i32_0 = arith.constant 0 : i32
    %c0_i32_1 = arith.constant 0 : i32
    return %c0_i32, %arg0, %c0_i32_0 : i32, i32, i32
  }
  func.func @transform_1(%arg0: i32) -> (i32, i32, i32) {
    %c0_i32 = arith.constant 0 : i32
    %c0_i32_0 = arith.constant 0 : i32
    %c0_i32_1 = arith.constant 0 : i32
    return %c0_i32, %arg0, %c0_i32_0 : i32, i32, i32
  }
  func.func @transform_2(%arg0: i32) -> (i32, i32) {
    %c0_i32 = arith.constant 0 : i32
    %c0_i32_0 = arith.constant 0 : i32
    return %arg0, %c0_i32 : i32, i32
  }
  func.func @transform_3(%arg0: i32) -> (i32, i32) {
    %c0_i32 = arith.constant 0 : i32
    %c0_i32_0 = arith.constant 0 : i32
    %c0_i32_1 = arith.constant 0 : i32
    return %c0_i32, %c0_i32_0 : i32, i32
  }
  func.func @transform_4(%arg0: i32) -> (i32, i32) {
    %c0_i32 = arith.constant 0 : i32
    %c0_i32_0 = arith.constant 0 : i32
    %c0_i32_1 = arith.constant 0 : i32
    return %c0_i32, %c0_i32_0 : i32, i32
  }
  func.func @transform_5(%arg0: i32) -> (i32, i32) {
    %c0_i32 = arith.constant 0 : i32
    %c0_i32_0 = arith.constant 0 : i32
    %c0_i32_1 = arith.constant 0 : i32
    return %c0_i32, %c0_i32_0 : i32, i32
  }
  func.func @transform_6(%arg0: i32) -> (i32, i32) {
    %c0_i32 = arith.constant 0 : i32
    %c0_i32_0 = arith.constant 0 : i32
    %c0_i32_1 = arith.constant 0 : i32
    return %c0_i32, %c0_i32_0 : i32, i32
  }
  func.func @transform_7(%arg0: i32) -> (i32, i32) {
    %c0_i32 = arith.constant 0 : i32
    %c0_i32_0 = arith.constant 0 : i32
    return %arg0, %c0_i32 : i32, i32
  }
}

module attributes {stable_mosaic.version = 14 : i64} {
  func.func @_final_body(%arg0: i32, %arg1: memref<2x640x4xf32, #tpu.memory_space<vmem>>, %arg2: memref<2x640x128xf32, #tpu.memory_space<vmem>>, %arg3: memref<640x128xf32, #tpu.memory_space<vmem>>, %arg4: memref<1x128xf32, #tpu.memory_space<vmem>>, %arg5: memref<4x128xf32, #tpu.memory_space<vmem>>, %arg6: memref<640x128xf32, #tpu.memory_space<vmem>>) attributes {dimension_semantics = [#tpu.dimension_semantics<arbitrary>], iteration_bounds = array<i64: 4>, scalar_prefetch = 0 : i64, scratch_operands = 0 : i64, tpu.core_type = #tpu.core_type<tc>, window_params = [{transform_indices = @transform_0, window_bounds = array<i64: 2, 640, 4>}, {transform_indices = @transform_1, window_bounds = array<i64: 2, 640, 128>}, {transform_indices = @transform_2, window_bounds = array<i64: 640, 128>}, {pipeline_mode = #tpu.pipeline_mode<synchronous>, transform_indices = @transform_3, window_bounds = array<i64: 1, 128>}, {pipeline_mode = #tpu.pipeline_mode<synchronous>, transform_indices = @transform_4, window_bounds = array<i64: 4, 128>}, {transform_indices = @transform_5, window_bounds = array<i64: 640, 128>}]} {
    %get3A = arith.constant 0 : index
    %get3A_0 = arith.constant 0 : index
    %get3A_1 = arith.constant 0 : index
    %get3A_2 = vector.load %arg1[%get3A, %get3A_0, %get3A_1] : memref<2x640x4xf32, #tpu.memory_space<vmem>>, vector<1x640x4xf32>
    %get3A_3 = vector.shape_cast %get3A_2 : vector<1x640x4xf32> to vector<640x4xf32>
    %get3A_4 = arith.constant 1 : index
    %get3A_5 = arith.constant 0 : index
    %get3A_6 = arith.constant 0 : index
    %get3A_7 = vector.load %arg1[%get3A_4, %get3A_5, %get3A_6] : memref<2x640x4xf32, #tpu.memory_space<vmem>>, vector<1x640x4xf32>
    %get3A_8 = vector.shape_cast %get3A_7 : vector<1x640x4xf32> to vector<640x4xf32>
    %add3A = arith.addf %get3A_3, %get3A_8 : vector<640x4xf32>
    %add3A_9 = arith.constant 1.000000e+00 : f32
    %add3A_10 = vector.broadcast %add3A_9 : f32 to vector<640x4xf32>
    %add3A_11 = arith.addf %add3A, %add3A_10 : vector<640x4xf32>
    %rsqrt3A = math.rsqrt %add3A_11 : vector<640x4xf32>
    %get3A_12 = arith.constant 0 : index
    %get3A_13 = arith.constant 0 : index
    %get3A_14 = vector.load %arg5[%get3A_12, %get3A_13] : memref<4x128xf32, #tpu.memory_space<vmem>>, vector<4x128xf32>
    %dot_general3A = arith.constant dense<0.000000e+00> : vector<640x128xf32>
    %dot_general3A_15 = tpu.matmul %rsqrt3A, %get3A_14, %dot_general3A {dimension_numbers = #tpu.dot_dimension_numbers<[1], [0], [0], [1], [0, 0, 1, 1], [], []>, precision = #tpu.contract_precision<fp32>, transpose_lhs_hint = false} : vector<640x4xf32>, vector<4x128xf32>, vector<640x128xf32> -> vector<640x128xf32>
    %get3A_16 = arith.constant 0 : index
    %get3A_17 = arith.constant 0 : index
    %get3A_18 = arith.constant 0 : index
    %get3A_19 = vector.load %arg2[%get3A_16, %get3A_17, %get3A_18] : memref<2x640x128xf32, #tpu.memory_space<vmem>>, vector<1x640x128xf32>
    %get3A_20 = vector.shape_cast %get3A_19 : vector<1x640x128xf32> to vector<640x128xf32>
    %get3A_21 = arith.constant 1 : index
    %get3A_22 = arith.constant 0 : index
    %get3A_23 = arith.constant 0 : index
    %get3A_24 = vector.load %arg2[%get3A_21, %get3A_22, %get3A_23] : memref<2x640x128xf32, #tpu.memory_space<vmem>>, vector<1x640x128xf32>
    %get3A_25 = vector.shape_cast %get3A_24 : vector<1x640x128xf32> to vector<640x128xf32>
    %add3A_26 = arith.addf %get3A_20, %get3A_25 : vector<640x128xf32>
    %get3A_27 = arith.constant 0 : index
    %get3A_28 = arith.constant 0 : index
    %get3A_29 = vector.load %arg3[%get3A_27, %get3A_28] : memref<640x128xf32, #tpu.memory_space<vmem>>, vector<640x128xf32>
    %add3A_30 = arith.addf %add3A_26, %get3A_29 : vector<640x128xf32>
    %mul3A = arith.mulf %add3A_30, %dot_general3A_15 : vector<640x128xf32>
    %get3A_31 = arith.constant 0 : index
    %get3A_32 = arith.constant 0 : index
    %get3A_33 = vector.load %arg4[%get3A_31, %get3A_32] : memref<1x128xf32, #tpu.memory_space<vmem>>, vector<1x128xf32>
    %add3A_34 = vector.broadcast %get3A_33 : vector<1x128xf32> to vector<640x128xf32>
    %add3A_35 = arith.addf %mul3A, %add3A_34 : vector<640x128xf32>
    %ge3A = arith.constant 0.000000e+00 : f32
    %ge3A_36 = vector.broadcast %ge3A : f32 to vector<640x128xf32>
    %ge3A_37 = arith.cmpf oge, %add3A_35, %ge3A_36 : vector<640x128xf32>
    %mul3A_38 = arith.constant 0.00999999977 : f32
    %mul3A_39 = vector.broadcast %mul3A_38 : f32 to vector<640x128xf32>
    %mul3A_40 = arith.mulf %mul3A_39, %add3A_35 : vector<640x128xf32>
    %select_n3A = arith.select %ge3A_37, %add3A_35, %mul3A_40 : vector<640x128xi1>, vector<640x128xf32>
    %swap3A = arith.constant 0 : index
    %swap3A_41 = arith.constant 0 : index
    %swap3A_42 = vector.load %arg6[%swap3A, %swap3A_41] : memref<640x128xf32, #tpu.memory_space<vmem>>, vector<640x128xf32>
    tpu.vector_store %arg6[%swap3A, %swap3A_41], %select_n3A {strides = array<i32>} : memref<640x128xf32, #tpu.memory_space<vmem>>, vector<640x128xf32>,
    return
  }
  func.func @transform_0(%arg0: i32) -> (i32, i32, i32) {
    %c0_i32 = arith.constant 0 : i32
    %c0_i32_0 = arith.constant 0 : i32
    %c0_i32_1 = arith.constant 0 : i32
    return %c0_i32, %arg0, %c0_i32_0 : i32, i32, i32
  }
  func.func @transform_1(%arg0: i32) -> (i32, i32, i32) {
    %c0_i32 = arith.constant 0 : i32
    %c0_i32_0 = arith.constant 0 : i32
    %c0_i32_1 = arith.constant 0 : i32
    return %c0_i32, %arg0, %c0_i32_0 : i32, i32, i32
  }
  func.func @transform_2(%arg0: i32) -> (i32, i32) {
    %c0_i32 = arith.constant 0 : i32
    %c0_i32_0 = arith.constant 0 : i32
    return %arg0, %c0_i32 : i32, i32
  }
  func.func @transform_3(%arg0: i32) -> (i32, i32) {
    %c0_i32 = arith.constant 0 : i32
    %c0_i32_0 = arith.constant 0 : i32
    %c0_i32_1 = arith.constant 0 : i32
    return %c0_i32, %c0_i32_0 : i32, i32
  }
  func.func @transform_4(%arg0: i32) -> (i32, i32) {
    %c0_i32 = arith.constant 0 : i32
    %c0_i32_0 = arith.constant 0 : i32
    %c0_i32_1 = arith.constant 0 : i32
    return %c0_i32, %c0_i32_0 : i32, i32
  }
  func.func @transform_5(%arg0: i32) -> (i32, i32) {
    %c0_i32 = arith.constant 0 : i32
    %c0_i32_0 = arith.constant 0 : i32
    return %arg0, %c0_i32 : i32, i32
  }
}

</mosaic_0001>

<sc_bundles>
// kernel: kernel.12.cloned.1.call-start
scs
__scs_entry_jumppad:
0x0: {  	(pc) =	sbr.rel $0x88, $3  }
0x1: {  	(tag) =	ssettag $0x0;
	lr =	simm.s32 $0x1  }
0x2: {  	[smem:$0x3F9B] =	sst lr;
	_ =	strace $0xD0000000  }
0x3: {  	_ = 	snop  }
0x4: {  	_ = 	snop  }
0x5: {  	_ = 	snop  }
0x6: {  	_ = 	snop  }
0x7: {  	_ = 	snop  }
__scs_overlays_trampoline_lowered:
0x8: {  	[smem:$0x3FAA] =	sst s0  }
0x9: {  	[smem:$0x3FAB] =	sst s1  }
0xa: {  	[smem:$0x3FAC] =	sst s2  }
0xb: {  	[smem:$0x3FAD] =	sst s3  }
0xc: {  	[smem:$0x3FAE] =	sst s4  }
0xd: {  	[smem:$0x3FAF] =	sst s5  }
0xe: {  	[smem:$0x3FB0] =	sst s6  }
0xf: {  	[smem:$0x3FB1] =	sst s7  }
0x10: {  	[smem:$0x3FB2] =	sst s8  }
0x11: {  	[smem:$0x3FB3] =	sst s9;
	s0 =	simm.s32 @!p0 $0x0  }
0x12: {  	s1 =	sld [smem:$0x3F99];
	s0 =	simm.s32 @p0 $0x1  }
0x13: {  	[smem:$0x3FB4] =	sst s0;
	s0 =	simm.s32 @!p1 $0x0  }
0x14: {  	s2 =	sld [smem:$0x3F98];
	s0 =	simm.s32 @p1 $0x1  }
0x15: {  	[smem:$0x3FB5] =	sst s0;
	s0 =	simm.s32 @!p2 $0x0  }
0x16: {  	s3 =	sld [smem:$0x3FDB];
	s0 =	simm.s32 @p2 $0x1  }
0x17: {  	s4 =	simm.s32 $0x1BF5;
	[smem:$0x3FB7] =	sst s0  }
0x18: {  	s0 =	sld [smem:$0x3F9A];
	_ =	swait.ge [sflag:s4], $0x0  }
0x19: {  	s7 =	sld [smem:$0x3F9B]  }
0x1a: {  	s8 =	sadd.s32 $0xFFFFE003, lr  }
0x1b: {  	s9 =	sadd.s32 $0xFFFFFEF7, lr;
	s5 =	simm.s32 $0xFFFFFFFF;
	p2 =	slt.u32 s8, $0xFFFFF086  }
0x1c: {  	p1 =	slt.u32 s9, $0xF7A;
	s5 =	simm.s32 @!p2 $0x0  }
0x1d: {  	s5 =	simm.s32 @p1 $0x1;
	p0 =	seq.s32 s7, s2  }
0x1e: {  	s7 =	smul.u32 @!p0 $0xF7A, s2;
	p2 =	seq.s32 @!p0 s5, $0x0  }
0x1f: {  	s9 =	smul.u32 $0xF7A, s1;
	s8 =	simm.s32 @!p0 $0x1BF5;
	p2 =	por !p2, p0  }
0x20: {  	[sflag:s8] =	ssyncset.s32 @!p0 $0xFFFFF086;
	s6 =	sadd.s32 @!p0 s3, s7;
	s7 =	simm.s32 @!p0 $0x108  }
0x21: {  	s3 =	sadd.s32 s3, s9;
	s6 =	sadd.s32 @!p0 $0x88, s6;
	s7 =	simm.s32 @p2 $0x1082  }
0x22: {  	[simem:s7], [sflag:s8] =	dma.local @!p0 [hbm:s6], $0xF7A  }
0x23: {  	s9 =	sor.u32 $0xD0000000, s2;
	s6 =	simm.s32 $0x108;
	_ =	swait.ge @!p0 [sflag:s8], $0x0  }
0x24: {  	s3 =	sadd.s32 $0x88, s3;
	s6 =	simm.s32 @!p1 $0x1082;
	[sflag:s4] =	ssyncset.s32 $0xFFFFF086  }
0x25: {  	[simem:s6], [sflag:s4] =	dma.local [hbm:s3], $0xF7A  }
0x26: {  	[smem:$0x3F9B] =	sst s1;
	(tag) =	ssettag s2;
	_ =	strace s9  }
0x27: {  	s1 =	sld [smem:$0x3FAB]  }
0x28: {  	s2 =	sld [smem:$0x3FAC]  }
0x29: {  	s4 =	sld [smem:$0x3FAE]  }
0x2a: {  	p0 =	seq.s32 s5, $0x0;
	s5 =	sld [smem:$0x3FAF]  }
0x2b: {  	s6 =	sld [smem:$0x3FB0]  }
0x2c: {  	s7 =	sld [smem:$0x3FB1]  }
0x2d: {  	s3 =	simm.s32 $0x108;
	s8 =	sld [smem:$0x3FB2]  }
0x2e: {  	s3 =	simm.s32 @!p0 $0x1082;
	s9 =	sld [smem:$0x3FB3]  }
0x2f: {  	lr =	sadd.s32 s0, s3;
	s0 =	sld [smem:$0x3FAA]  }
0x30: {  	s3 =	sld [smem:$0x3FAD]  }
0x31: {  	[smem:$0x3FB6] =	sst s10  }
0x32: {  	s10 =	sld [smem:$0x3FB4];
	_ =	sdelay $0x3  }
0x33: {  	p0 =	seq.s32 s10, $0x1;
	s10 =	sld [smem:$0x3FB6];
	_ =	sdelay $0x3  }
0x34: {  	[smem:$0x3FB6] =	sst s10  }
0x35: {  	s10 =	sld [smem:$0x3FB5];
	_ =	sdelay $0x3  }
0x36: {  	p1 =	seq.s32 s10, $0x1;
	s10 =	sld [smem:$0x3FB6];
	_ =	sdelay $0x3  }
0x37: {  	[smem:$0x3FB6] =	sst s10  }
0x38: {  	s10 =	sld [smem:$0x3FB7]  }
0x39: {  	_ = 	snop;
	(pc) =	sbr.ind lr, $3  }
0x3a: {  	_ = 	snop  }
0x3b: {  	_ = 	snop  }
0x3c: {  	p2 =	seq.s32 s10, $0x1;
	s10 =	sld [smem:$0x3FB6]  }
0x3d: {  	_ =	shalt  }
0x3e: {  	_ =	shalt  }
0x3f: {  	_ =	shalt  }
0x40: {  	_ =	shalt  }
0x41: {  	_ =	shalt  }
0x42: {  	_ =	shalt  }
0x43: {  	_ =	shalt  }
0x44: {  	_ =	shalt  }
0x45: {  	_ =	shalt  }
0x46: {  	_ =	shalt  }
0x47: {  	_ =	shalt  }
0x48: {  	_ =	shalt  }
0x49: {  	_ =	shalt  }
0x4a: {  	_ =	shalt  }
0x4b: {  	_ =	shalt  }
0x4c: {  	_ =	shalt  }
0x4d: {  	_ =	shalt  }
0x4e: {  	_ =	shalt  }
0x4f: {  	_ =	shalt  }
0x50: {  	_ =	shalt  }
0x51: {  	_ =	shalt  }
0x52: {  	_ =	shalt  }
0x53: {  	_ =	shalt  }
0x54: {  	_ =	shalt  }
0x55: {  	_ =	shalt  }
0x56: {  	_ =	shalt  }
0x57: {  	_ =	shalt  }
0x58: {  	_ =	shalt  }
0x59: {  	_ =	shalt  }
0x5a: {  	_ =	shalt  }
0x5b: {  	_ =	shalt  }
0x5c: {  	_ =	shalt  }
0x5d: {  	_ =	shalt  }
0x5e: {  	_ =	shalt  }
0x5f: {  	_ =	shalt  }
0x60: {  	_ =	shalt  }
0x61: {  	_ =	shalt  }
0x62: {  	_ =	shalt  }
0x63: {  	_ =	shalt  }
0x64: {  	_ =	shalt  }
0x65: {  	_ =	shalt  }
0x66: {  	_ =	shalt  }
0x67: {  	_ =	shalt  }
0x68: {  	_ =	shalt  }
0x69: {  	_ =	shalt  }
0x6a: {  	_ =	shalt  }
0x6b: {  	_ =	shalt  }
0x6c: {  	_ =	shalt  }
0x6d: {  	_ =	shalt  }
0x6e: {  	_ =	shalt  }
0x6f: {  	_ =	shalt  }
0x70: {  	_ =	shalt  }
0x71: {  	_ =	shalt  }
0x72: {  	_ =	shalt  }
0x73: {  	_ =	shalt  }
0x74: {  	_ =	shalt  }
0x75: {  	_ =	shalt  }
0x76: {  	_ =	shalt  }
0x77: {  	_ =	shalt  }
0x78: {  	_ =	shalt  }
0x79: {  	_ =	shalt  }
0x7a: {  	_ =	shalt  }
0x7b: {  	_ =	shalt  }
0x7c: {  	_ =	shalt  }
0x7d: {  	_ =	shalt  }
0x7e: {  	_ =	shalt  }
0x7f: {  	_ =	shalt  }
0x80: {  	_ =	shalt  }
0x81: {  	_ =	shalt  }
0x82: {  	_ =	shalt  }
0x83: {  	_ =	shalt  }
0x84: {  	_ =	shalt  }
0x85: {  	_ =	shalt  }
0x86: {  	_ =	shalt  }
0x87: {  	_ =	shalt  }
.Lfunc_end0:
.L_simem_size_0:
called_computation.1_lowered:
.L_overlay_start_0:
0x88: {  	s2 =	sld [smem:$0x3FD9]  }
0x89: {  	s3 =	sld [smem:$0x3FFE];
	_ =	sdelay $0x1  }
0x8a: {  	s1 =	srdreg.scid  }
0x8b: {  	s0 =	sand.u32 $0x1, s1  }
0x8c: {  	s17 =	sshll.u32 s0, $0xA;
	s2 =	sadd.s32 s3, s2  }
0x8d: {  	s2 =	sadd.s32 s2, s17  }
0x8e: {  	[smem:$0x3FC2] =	sst s2  }
0x8f: {  	_ = 	snop  }
0x90: {  	s2 =	sld [smem:$0x3FD0];
	(tm) =	ssettm $0x1  }
0x91: {  	s18 =	sld [smem:$0x3FFB];
	_ =	sdelay $0x3  }
0x92: {  	_ =	strace s18  }
0x93: {  	s3 =	sld [smem:$0x3FFC];
	_ =	sdelay $0x3  }
0x94: {  	_ =	strace s3  }
0x95: {  	s3 =	sld [smem:$0x3FFD];
	_ =	sdelay $0x3  }
0x96: {  	_ =	strace s3  }
0x97: {  	_ =	strace $0x8FFFFFFF  }
0x98: {  	s19 =	sld [smem:$0x3FDB];
	_ =	sdelay $0x1  }
0x99: {  	s4 =	simm.s32 $_scs_section_size  }
0x9a: {  	s5 =	simm.s32 $_size__tile_overlayer_lowered;
	s6 =	simm.s32 $_tile_overlayer_lowered  }
0x9b: {  	s22 =	simm.s32 $0x1BFF;
	s21 =	sshll.u32 s6, $0x1;
	s3 =	sadd.s32 s4, s19  }
0x9c: {  	s7 =	simm.s32 $0x0;
	s20 =	sshll.u32 s5, $0x1;
	s5 =	sadd.s32 s21, s3  }
0x9d: {  	[timem:s7], [sflag:s22] =	dma.local [hbm:s5], s20  }
0x9e: {  	_ =	swait.ge [sflag:s22], s20  }
0x9f: {  	s4 =	ssub.s32 $0x0, s20;
	[sflag:s22] =	ssyncset.done $0x0  }
0xa0: {  	[sflag:s22] =	ssyncadd.s32 s4;
	_ =	sdelay $0x1  }
0xa1: {  	s23 =	simm.s32 $0x1B8B  }
0xa2: {  	_ =	swait.ge [sflag:s23], $0x1  }
0xa3: {  	[sflag:s23] =	ssyncset.done $0x0  }
0xa4: {  	s25 =	simm.s32 $0x1B8E;
	s24 =	sld [smem:$0x3FFE];
	[sflag:s23] =	ssyncadd.s32 $0xFFFFFFFF  }
0xa5: {  	s26 =	simm.s32 $execute0_lowered;
	[smem:$0x3FD2] =	sst s25  }
0xa6: {  	s5 =	sshll.u32 s26, $0x1;
	_ =	strace $0x80000049;
	[dreg:$0x1] =	wrdreg $0xFFFFFFFF  }
0xa7: {  	s28 =	simm.s32 $_size_execute0_lowered;
	s3 =	sadd.s32 s3, s5;
	[dreg:$0x0] =	wrdreg $0x0  }
0xa8: {  	s5 =	sshll.u32 s28, $0x1;
	[dreg:$0x2] =	wrdreg s3  }
0xa9: {  	[dreg:$0x3] =	wrdreg s5  }
0xaa: {  	[dreg:$0x4] =	wrdreg $0xC0  }
0xab: {  	_ =	task [dreg:s7], $0x5FFFF  }
0xac: {  	[dreg:$0x1] =	wrdreg $0xFFFFFFFF  }
0xad: {  	[dreg:$0x0] =	wrdreg $0x60  }
0xae: {  	[dreg:$0x2] =	wrdreg s24  }
0xaf: {  	[dreg:$0x3] =	wrdreg s2  }
0xb0: {  	[dreg:$0x4] =	wrdreg $0x76200  }
0xb1: {  	[dreg:$0x5] =	wrdreg $0x116200  }
0xb2: {  	[dreg:$0x6] =	wrdreg $0x9  }
0xb3: {  	_ =	task.clear_ibuf [dreg:s7], $0x7FFFF;
	_ =	strace $0x90000049  }
0xb4: {  	s29 =	simm.s32 $0x9;
	_ =	strace $0x8000004B  }
0xb5: {  	_ =	swait.ge [sflag:s29], $0x1  }
0xb6: {  	[sflag:s29] =	ssyncadd.s32 $0xFFFFFFFF  }
0xb7: {  	_ =	strace $0x9000004B  }
0xb8: {  	_ =	sfence  }
0xb9: {  	s30 =	sld [smem:$0x0];
	_ =	sdelay $0x2  }
0xba: {  	s31 =	sshll.u32 s1, $0xD;
	s1 =	sshrl.u32 s1, $0x2  }
0xbb: {  	s3 =	sand.u32 $0x4000, s31;
	s1 =	sadd.s32 s1, s30  }
0xbc: {  	s0 =	sor.u32 s3, s0;
	s1 =	sshll.u32 s1, $0x11  }
0xbd: {  	s0 =	sor.u32 s1, s0  }
0xbe: {  	s0 =	sadd.s32 $0x8F2B, s0  }
0xbf: {  	[sflag:s0] =	ssyncadd.remote.s32 $0x1  }
0xc0: {  	_ =	sfence.sel $0xFFFF  }
0xc1: {  	[dreg:$0x0] =	wrdreg $0xFFFFFFFF;
	(pc) =	sbr.abs _section_cstart, $3  }
0xc2: {  	[dreg:$0x1] =	wrdreg $0xFFFFFFFF  }
0xc3: {  	_ =	task.clear_ibuf [dreg:s7], $0x2FFFF;
	_ =	strace $0x9FFFFFFF  }
0xc4: {  	(tm) =	ssettm $0x7FFFFFFF  }
0xc5: {  	_ =	shalt  }
tec
execute0_lowered:
.L_overlay_start_1:
0x0: {  	(tag) =	ssettag $0x1  }
0x1: {  	s5 =	rddreg [dreg:$0x0]  }
0x2: {  	s8 =	rddreg [dreg:$0x1]  }
0x3: {  	s2 =	rddreg [dreg:$0x2]  }
0x4: {  	s3 =	rddreg [dreg:$0x3]  }
0x5: {  	s0 =	rddreg [dreg:$0x4];
	s1 =	stileid.u32  }
0x6: {  	s6 =	srdreg.scid;
	s4 =	simm.s32 $0x0;
	s17 =	simm.s32 $0x1  }
0x7: {  	s18 =	simm.s32 $0x6220;
	s19 =	simm.s32 $0x2;
	s20 =	simm.s32 $0x4DD0  }
0x8: {  	s6 =	sand.u32 $0x1, s6;
	s7 =	sshll.u32 s1, $0x1;
	[smem:$0x7FF] =	sst s4  }
0x9: {  	s9 =	smul.u32 $0xA000, s1;
	s31 =	sshll.u32 s1, $0x6;
	s7 =	sor.u32 s6, s7  }
0xa: {  	_ =	strace $0x8000004A;
	s30 =	smul.u32 $0x14000, s6;
	s6 =	ssub.s32 $0x2, s6  }
0xb: {  	s10 =	smul.u32 $0x4E2, s7;
	s21 =	sshrl.u32 s9, $0x3;
	s13 =	sshrl.u32 s6, $0x1  }
0xc: {  	s15 =	sadd.s32 s9, s2;
	s16 =	sadd.s32 s9, s3;
	s11 =	sadd.s32 s21, s5  }
0xd: {  	s14 =	sadd.s32 s30, s5;
	s13 =	ssub.s32 s6, s13;
	s6 =	sor.u32 $0x1C03, s31  }
0xe: {  	s12 =	sadd.s32 s10, s5;
	s5 =	sadd.s32 $0x20E00, s11;
	s7 =	sadd.s32 $0xCE00, s11  }
0xf: {  	s8 =	sadd.s32 s8, s10;
	s22 =	sadd.s32 $0x34E00, s14;
	s10 =	smax.u32 s13, $0x1  }
0x10: {  	s11 =	sshrl.u32 s15, $0x3;
	s13 =	sshrl.u32 s16, $0x3;
	s14 =	simm.s32 $0x2710  }
0x11: {  	s15 =	simm.s32 $0x50;
	s16 =	simm.s32 $0x4E20;
	s9 =	sadd.s32 $0x2000, s12  }
0x12: {  	s12 =	simm.s32 $0x3;
	s21 =	sadd.s32 s21, s22;
	s22 =	simm.s32 $0x0  }
.LBB2_1:
0x13: {  	[spmem:s11], [sflag:s6] =	dma.local [hbm:s5], $0x1400  }
0x14: {  	_ =	swait.ge [sflag:s12], $0x1400  }
0x15: {  	[sflag:s12] =	ssyncset.done $0x0  }
0x16: {  	[sflag:s12] =	ssyncadd.s32 $0xFFFFEC00  }
0x17: {  	[spmem:s13], [sflag:s6] =	dma.local [hbm:s7], $0x1400  }
0x18: {  	_ =	swait.ge [sflag:s12], $0x1400  }
0x19: {  	[sflag:s12] =	ssyncset.done $0x0  }
0x1a: {  	[sflag:s12] =	ssyncadd.s32 $0xFFFFEC00  }
0x1b: {  	[tilespmem:s4], [sflag:$0x3] =	stream.linear.gather [hbm4b:s8+s4], $0x2710, $0x38;
	[tilespmem:$0x1B620] =	vst v63  }
0x1c: {  	_ =	swait.ge [sflag:s12], $0x2710  }
0x1d: {  	[sflag:s12] =	ssyncset.done $0x0  }
0x1e: {  	[sflag:s12] =	ssyncadd.s32 $0xFFFFD8F0  }
0x1f: {  	[tilespmem:s14], [sflag:$0x3] =	stream.linear.gather [hbm4b:s9+s4], $0x2710, $0x38;
	[tilespmem:$0x1B620] =	vst v63  }
0x20: {  	_ =	swait.ge [sflag:s12], $0x2710  }
0x21: {  	[sflag:s12] =	ssyncset.done $0x0  }
0x22: {  	[sflag:s12] =	ssyncadd.s32 $0xFFFFD8F0  }
0x23: {  	[bflag:$0x0] =	sbarrier.arrive $0xFFFF  }
0x24: {  	[tilespmem:s16], [sflag:$0x1] =	stream.indirect.gather [spmem:s3], $0x40, s4, s15, $0xb8;
	[tilespmem:$0x1B620] =	vst v63  }
0x25: {  	_ =	swait.ge [sflag:s17], $0x1400  }
0x26: {  	[sflag:s17] =	ssyncset.done $0x0  }
0x27: {  	s23 =	simm.s32 $0x50;
	[sflag:s17] =	ssyncadd.s32 $0xFFFFEC00  }
0x28: {  	[tilespmem:s18], [sflag:$0x2] =	stream.indirect.gather [spmem:s3], $0x40, s23, s15, $0xb8;
	[tilespmem:$0x1B620] =	vst v63  }
0x29: {  	s29 =	simm.s32 $0x2710  }
0x2a: {  	[spmem:s2] =	stream.indirect.scatter.add.f32 [tilespmem:s16], [sflag:$0x3], $0x40, s29, s15, $0xb8;
	[tilespmem:$0x1B620] =	vst v63  }
0x2b: {  	_ =	swait.ge [sflag:s12], $0x1400  }
0x2c: {  	[sflag:s12] =	ssyncset.done $0x0  }
0x2d: {  	[sflag:s12] =	ssyncadd.s32 $0xFFFFEC00  }
0x2e: {  	_ =	swait.ge [sflag:s19], $0x1400  }
0x2f: {  	[sflag:s19] =	ssyncset.done $0x0  }
0x30: {  	s30 =	simm.s32 $0xA0;
	[sflag:s19] =	ssyncadd.s32 $0xFFFFEC00  }
0x31: {  	[tilespmem:s16], [sflag:$0x1] =	stream.indirect.gather [spmem:s3], $0x40, s30, s15, $0xb8;
	[tilespmem:$0x1B620] =	vst v63  }
0x32: {  	s31 =	simm.s32 $0x2760  }
0x33: {  	[spmem:s2] =	stream.indirect.scatter.add.f32 [tilespmem:s18], [sflag:$0x3], $0x40, s31, s15, $0xb8;
	[tilespmem:$0x1B620] =	vst v63  }
0x34: {  	_ =	swait.ge [sflag:s12], $0x1400  }
0x35: {  	s23 =	simm.s32 $0x280;
	[sflag:s12] =	ssyncset.done $0x0  }
.LBB2_2:
0x36: {  	p0 =	sne.s32 s23, $0x9880  }
0x37: {  	[sflag:s12] =	ssyncadd.s32 $0xFFFFEC00;
	s24 =	smov.u32 s23;
	s23 =	sadd.s32 $0x280, s23  }
0x38: {  	_ = 	snop  }
0x39: {  	_ =	swait.ge [sflag:s17], $0x1400  }
0x3a: {  	s24 =	sshra.s32 s24, $0x2;
	[sflag:s17] =	ssyncset.done $0x0  }
0x3b: {  	s25 =	sadd.s32 $0x50, s24;
	[sflag:s17] =	ssyncadd.s32 $0xFFFFEC00  }
0x3c: {  	[tilespmem:s18], [sflag:$0x2] =	stream.indirect.gather [spmem:s3], $0x40, s25, s15, $0xb8;
	[tilespmem:$0x1B620] =	vst v63  }
0x3d: {  	s25 =	sadd.s32 $0x2710, s24  }
0x3e: {  	[spmem:s2] =	stream.indirect.scatter.add.f32 [tilespmem:s16], [sflag:$0x3], $0x40, s25, s15, $0xb8;
	[tilespmem:$0x1B620] =	vst v63  }
0x3f: {  	_ =	swait.ge [sflag:s12], $0x1400  }
0x40: {  	[sflag:s12] =	ssyncset.done $0x0  }
0x41: {  	[sflag:s12] =	ssyncadd.s32 $0xFFFFEC00  }
0x42: {  	_ =	swait.ge [sflag:s19], $0x1400  }
0x43: {  	[sflag:s19] =	ssyncset.done $0x0  }
0x44: {  	s25 =	sadd.s32 $0xA0, s24;
	[sflag:s19] =	ssyncadd.s32 $0xFFFFEC00  }
0x45: {  	[tilespmem:s16], [sflag:$0x1] =	stream.indirect.gather [spmem:s3], $0x40, s25, s15, $0xb8;
	[tilespmem:$0x1B620] =	vst v63  }
.Ltmp0:
0x46: {  	_ = 	snop;
	(pc) =	sbr.rel @p0 .LBB2_2-.Ltmp0, $4  }
0x47: {  	s24 =	sadd.s32 $0x2760, s24  }
0x48: {  	[spmem:s2] =	stream.indirect.scatter.add.f32 [tilespmem:s18], [sflag:$0x3], $0x40, s24, s15, $0xb8;
	[tilespmem:$0x1B620] =	vst v63  }
0x49: {  	_ =	swait.ge [sflag:s12], $0x1400  }
0x4a: {  	[sflag:s12] =	ssyncset.done $0x0  }
0x4b: {  	[sflag:s12] =	ssyncadd.s32 $0xFFFFEC00  }
0x4c: {  	_ =	swait.ge [sflag:s17], $0x1400  }
0x4d: {  	[sflag:s17] =	ssyncset.done $0x0  }
0x4e: {  	[sflag:s17] =	ssyncadd.s32 $0xFFFFEC00  }
0x4f: {  	[spmem:s2] =	stream.indirect.scatter.add.f32 [tilespmem:s16], [sflag:$0x3], $0x40, s20, s15, $0xb8;
	[tilespmem:$0x1B620] =	vst v63  }
0x50: {  	_ =	swait.ge [sflag:s12], $0x1400  }
0x51: {  	s22 =	sadd.s32 $0x1, s22;
	[sflag:s12] =	ssyncset.done $0x0  }
0x52: {  	p0 =	sne.s32 s22, s10;
	[sflag:s12] =	ssyncadd.s32 $0xFFFFEC00  }
.Ltmp1:
0x53: {  	[bflag:$0x0] =	sbarrier.arrive $0xFFFF;
	(pc) =	sbr.rel @p0 .LBB2_1-.Ltmp1, $4  }
0x54: {  	[hbm:s21], [sflag:s6] =	dma.local [spmem:s11], $0x1400  }
0x55: {  	_ =	swait.ge [sflag:s12], $0x1400  }
0x56: {  	[sflag:s12] =	ssyncset.done $0x0  }
0x57: {  	[sflag:s12] =	ssyncadd.s32 $0xFFFFEC00  }
0x58: {  	_ =	sfence.sel $0x180000  }
0x59: {  	[bflag:$0x0] =	sbarrier.arrive $0xFFFF  }
0x5a: {  	p0 =	sne.s32 s1, $0x0;
	_ =	strace $0x9000004A  }
0x5b: {  	s0 =	sadd.s32 @!p0 $0x100000, s0;
	[bflag:$0x2] =	sbarrier.arrive $0xFFFF  }
0x5c: {  	[sflag:s0] =	ssyncadd.tile.s32 @!p0 $0x1;
	_ =	shalt  }
.Lfunc_end2:
_tile_overlayer_lowered:
.L_overlay_start_2:
0x5d: {  	(tag) =	ssettag $0x2  }
0x5e: {  	s0 =	rddreg [dreg:$0x0];
	s2 =	stileid.u32  }
0x5f: {  	s1 =	rddreg [dreg:$0x1];
	p0 =	sne.s32 s2, $0x0  }
0x60: {  	s3 =	rddreg [dreg:$0x2];
	[bflag:$0x3] =	sbarrier.arrive $0xFFFF;
	s2 =	simm.s32 @!p0 $0x1C03  }
0x61: {  	[timem:s3], [sflag:s2] =	dma.local @!p0 [hbm:s0], s1  }
0x62: {  	s0 =	simm.s32 @!p0 $0x3  }
0x63: {  	_ =	swait.ge @!p0 [sflag:s0], s1  }
0x64: {  	s1 =	ssub.s32 @!p0 $0x0, s1;
	[sflag:s0] =	ssyncset.done @!p0 $0x0  }
0x65: {  	[sflag:s0] =	ssyncadd.s32 @!p0 s1  }
0x66: {  	[bflag:$0x3] =	sbarrier.arrive $0xFFFF  }
0x67: {  	_ =	shalt  }

// kernel: kernel.15.cloned.1.call-start
scs
__scs_entry_jumppad:
0x0: {  	(pc) =	sbr.rel $0x88, $3  }
0x1: {  	(tag) =	ssettag $0x0;
	lr =	simm.s32 $0x1  }
0x2: {  	[smem:$0x3F9B] =	sst lr;
	_ =	strace $0xD0000000  }
0x3: {  	_ = 	snop  }
0x4: {  	_ = 	snop  }
0x5: {  	_ = 	snop  }
0x6: {  	_ = 	snop  }
0x7: {  	_ = 	snop  }
__scs_overlays_trampoline_lowered:
0x8: {  	[smem:$0x3FAA] =	sst s0  }
0x9: {  	[smem:$0x3FAB] =	sst s1  }
0xa: {  	[smem:$0x3FAC] =	sst s2  }
0xb: {  	[smem:$0x3FAD] =	sst s3  }
0xc: {  	[smem:$0x3FAE] =	sst s4  }
0xd: {  	[smem:$0x3FAF] =	sst s5  }
0xe: {  	[smem:$0x3FB0] =	sst s6  }
0xf: {  	[smem:$0x3FB1] =	sst s7  }
0x10: {  	[smem:$0x3FB2] =	sst s8  }
0x11: {  	[smem:$0x3FB3] =	sst s9;
	s0 =	simm.s32 @!p0 $0x0  }
0x12: {  	s1 =	sld [smem:$0x3F99];
	s0 =	simm.s32 @p0 $0x1  }
0x13: {  	[smem:$0x3FB4] =	sst s0;
	s0 =	simm.s32 @!p1 $0x0  }
0x14: {  	s2 =	sld [smem:$0x3F98];
	s0 =	simm.s32 @p1 $0x1  }
0x15: {  	[smem:$0x3FB5] =	sst s0;
	s0 =	simm.s32 @!p2 $0x0  }
0x16: {  	s3 =	sld [smem:$0x3FDB];
	s0 =	simm.s32 @p2 $0x1  }
0x17: {  	s4 =	simm.s32 $0x1BF5;
	[smem:$0x3FB7] =	sst s0  }
0x18: {  	s0 =	sld [smem:$0x3F9A];
	_ =	swait.ge [sflag:s4], $0x0  }
0x19: {  	s7 =	sld [smem:$0x3F9B]  }
0x1a: {  	s8 =	sadd.s32 $0xFFFFE003, lr  }
0x1b: {  	s9 =	sadd.s32 $0xFFFFFEF7, lr;
	s5 =	simm.s32 $0xFFFFFFFF;
	p2 =	slt.u32 s8, $0xFFFFF086  }
0x1c: {  	p1 =	slt.u32 s9, $0xF7A;
	s5 =	simm.s32 @!p2 $0x0  }
0x1d: {  	s5 =	simm.s32 @p1 $0x1;
	p0 =	seq.s32 s7, s2  }
0x1e: {  	s7 =	smul.u32 @!p0 $0xF7A, s2;
	p2 =	seq.s32 @!p0 s5, $0x0  }
0x1f: {  	s9 =	smul.u32 $0xF7A, s1;
	s8 =	simm.s32 @!p0 $0x1BF5;
	p2 =	por !p2, p0  }
0x20: {  	[sflag:s8] =	ssyncset.s32 @!p0 $0xFFFFF086;
	s6 =	sadd.s32 @!p0 s3, s7;
	s7 =	simm.s32 @!p0 $0x108  }
0x21: {  	s3 =	sadd.s32 s3, s9;
	s6 =	sadd.s32 @!p0 $0x88, s6;
	s7 =	simm.s32 @p2 $0x1082  }
0x22: {  	[simem:s7], [sflag:s8] =	dma.local @!p0 [hbm:s6], $0xF7A  }
0x23: {  	s9 =	sor.u32 $0xD0000000, s2;
	s6 =	simm.s32 $0x108;
	_ =	swait.ge @!p0 [sflag:s8], $0x0  }
0x24: {  	s3 =	sadd.s32 $0x88, s3;
	s6 =	simm.s32 @!p1 $0x1082;
	[sflag:s4] =	ssyncset.s32 $0xFFFFF086  }
0x25: {  	[simem:s6], [sflag:s4] =	dma.local [hbm:s3], $0xF7A  }
0x26: {  	[smem:$0x3F9B] =	sst s1;
	(tag) =	ssettag s2;
	_ =	strace s9  }
0x27: {  	s1 =	sld [smem:$0x3FAB]  }
0x28: {  	s2 =	sld [smem:$0x3FAC]  }
0x29: {  	s4 =	sld [smem:$0x3FAE]  }
0x2a: {  	p0 =	seq.s32 s5, $0x0;
	s5 =	sld [smem:$0x3FAF]  }
0x2b: {  	s6 =	sld [smem:$0x3FB0]  }
0x2c: {  	s7 =	sld [smem:$0x3FB1]  }
0x2d: {  	s3 =	simm.s32 $0x108;
	s8 =	sld [smem:$0x3FB2]  }
0x2e: {  	s3 =	simm.s32 @!p0 $0x1082;
	s9 =	sld [smem:$0x3FB3]  }
0x2f: {  	lr =	sadd.s32 s0, s3;
	s0 =	sld [smem:$0x3FAA]  }
0x30: {  	s3 =	sld [smem:$0x3FAD]  }
0x31: {  	[smem:$0x3FB6] =	sst s10  }
0x32: {  	s10 =	sld [smem:$0x3FB4];
	_ =	sdelay $0x3  }
0x33: {  	p0 =	seq.s32 s10, $0x1;
	s10 =	sld [smem:$0x3FB6];
	_ =	sdelay $0x3  }
0x34: {  	[smem:$0x3FB6] =	sst s10  }
0x35: {  	s10 =	sld [smem:$0x3FB5];
	_ =	sdelay $0x3  }
0x36: {  	p1 =	seq.s32 s10, $0x1;
	s10 =	sld [smem:$0x3FB6];
	_ =	sdelay $0x3  }
0x37: {  	[smem:$0x3FB6] =	sst s10  }
0x38: {  	s10 =	sld [smem:$0x3FB7]  }
0x39: {  	_ = 	snop;
	(pc) =	sbr.ind lr, $3  }
0x3a: {  	_ = 	snop  }
0x3b: {  	_ = 	snop  }
0x3c: {  	p2 =	seq.s32 s10, $0x1;
	s10 =	sld [smem:$0x3FB6]  }
0x3d: {  	_ =	shalt  }
0x3e: {  	_ =	shalt  }
0x3f: {  	_ =	shalt  }
0x40: {  	_ =	shalt  }
0x41: {  	_ =	shalt  }
0x42: {  	_ =	shalt  }
0x43: {  	_ =	shalt  }
0x44: {  	_ =	shalt  }
0x45: {  	_ =	shalt  }
0x46: {  	_ =	shalt  }
0x47: {  	_ =	shalt  }
0x48: {  	_ =	shalt  }
0x49: {  	_ =	shalt  }
0x4a: {  	_ =	shalt  }
0x4b: {  	_ =	shalt  }
0x4c: {  	_ =	shalt  }
0x4d: {  	_ =	shalt  }
0x4e: {  	_ =	shalt  }
0x4f: {  	_ =	shalt  }
0x50: {  	_ =	shalt  }
0x51: {  	_ =	shalt  }
0x52: {  	_ =	shalt  }
0x53: {  	_ =	shalt  }
0x54: {  	_ =	shalt  }
0x55: {  	_ =	shalt  }
0x56: {  	_ =	shalt  }
0x57: {  	_ =	shalt  }
0x58: {  	_ =	shalt  }
0x59: {  	_ =	shalt  }
0x5a: {  	_ =	shalt  }
0x5b: {  	_ =	shalt  }
0x5c: {  	_ =	shalt  }
0x5d: {  	_ =	shalt  }
0x5e: {  	_ =	shalt  }
0x5f: {  	_ =	shalt  }
0x60: {  	_ =	shalt  }
0x61: {  	_ =	shalt  }
0x62: {  	_ =	shalt  }
0x63: {  	_ =	shalt  }
0x64: {  	_ =	shalt  }
0x65: {  	_ =	shalt  }
0x66: {  	_ =	shalt  }
0x67: {  	_ =	shalt  }
0x68: {  	_ =	shalt  }
0x69: {  	_ =	shalt  }
0x6a: {  	_ =	shalt  }
0x6b: {  	_ =	shalt  }
0x6c: {  	_ =	shalt  }
0x6d: {  	_ =	shalt  }
0x6e: {  	_ =	shalt  }
0x6f: {  	_ =	shalt  }
0x70: {  	_ =	shalt  }
0x71: {  	_ =	shalt  }
0x72: {  	_ =	shalt  }
0x73: {  	_ =	shalt  }
0x74: {  	_ =	shalt  }
0x75: {  	_ =	shalt  }
0x76: {  	_ =	shalt  }
0x77: {  	_ =	shalt  }
0x78: {  	_ =	shalt  }
0x79: {  	_ =	shalt  }
0x7a: {  	_ =	shalt  }
0x7b: {  	_ =	shalt  }
0x7c: {  	_ =	shalt  }
0x7d: {  	_ =	shalt  }
0x7e: {  	_ =	shalt  }
0x7f: {  	_ =	shalt  }
0x80: {  	_ =	shalt  }
0x81: {  	_ =	shalt  }
0x82: {  	_ =	shalt  }
0x83: {  	_ =	shalt  }
0x84: {  	_ =	shalt  }
0x85: {  	_ =	shalt  }
0x86: {  	_ =	shalt  }
0x87: {  	_ =	shalt  }
.Lfunc_end0:
.L_simem_size_0:
called_computation.2_lowered:
.L_overlay_start_0:
0x88: {  	s2 =	sld [smem:$0x3FD9]  }
0x89: {  	s3 =	sld [smem:$0x3FFE];
	_ =	sdelay $0x1  }
0x8a: {  	s1 =	srdreg.scid  }
0x8b: {  	s0 =	sand.u32 $0x1, s1  }
0x8c: {  	s17 =	sshll.u32 s0, $0xA;
	s2 =	sadd.s32 s3, s2  }
0x8d: {  	s2 =	sadd.s32 s2, s17  }
0x8e: {  	[smem:$0x3FC2] =	sst s2  }
0x8f: {  	_ = 	snop  }
0x90: {  	s2 =	sld [smem:$0x3FD0];
	(tm) =	ssettm $0x1  }
0x91: {  	s18 =	sld [smem:$0x3FFB];
	_ =	sdelay $0x3  }
0x92: {  	_ =	strace s18  }
0x93: {  	s3 =	sld [smem:$0x3FFC];
	_ =	sdelay $0x3  }
0x94: {  	_ =	strace s3  }
0x95: {  	s3 =	sld [smem:$0x3FFD];
	_ =	sdelay $0x3  }
0x96: {  	_ =	strace s3  }
0x97: {  	_ =	strace $0x8FFFFFFF  }
0x98: {  	s19 =	sld [smem:$0x3FDB];
	_ =	sdelay $0x1  }
0x99: {  	s4 =	simm.s32 $_scs_section_size  }
0x9a: {  	s5 =	simm.s32 $_size__tile_overlayer_lowered;
	s6 =	simm.s32 $_tile_overlayer_lowered  }
0x9b: {  	s22 =	simm.s32 $0x1BFF;
	s21 =	sshll.u32 s6, $0x1;
	s3 =	sadd.s32 s4, s19  }
0x9c: {  	s7 =	simm.s32 $0x0;
	s20 =	sshll.u32 s5, $0x1;
	s5 =	sadd.s32 s21, s3  }
0x9d: {  	[timem:s7], [sflag:s22] =	dma.local [hbm:s5], s20  }
0x9e: {  	_ =	swait.ge [sflag:s22], s20  }
0x9f: {  	s4 =	ssub.s32 $0x0, s20;
	[sflag:s22] =	ssyncset.done $0x0  }
0xa0: {  	[sflag:s22] =	ssyncadd.s32 s4;
	_ =	sdelay $0x1  }
0xa1: {  	s23 =	simm.s32 $0x1B8B  }
0xa2: {  	_ =	swait.ge [sflag:s23], $0x1  }
0xa3: {  	[sflag:s23] =	ssyncset.done $0x0  }
0xa4: {  	s25 =	simm.s32 $0x1B8E;
	s24 =	sld [smem:$0x3FFE];
	[sflag:s23] =	ssyncadd.s32 $0xFFFFFFFF  }
0xa5: {  	s26 =	simm.s32 $execute0_lowered;
	[smem:$0x3FD2] =	sst s25  }
0xa6: {  	s5 =	sshll.u32 s26, $0x1;
	_ =	strace $0x8000004C;
	[dreg:$0x1] =	wrdreg $0xFFFFFFFF  }
0xa7: {  	s28 =	simm.s32 $_size_execute0_lowered;
	s3 =	sadd.s32 s3, s5;
	[dreg:$0x0] =	wrdreg $0x0  }
0xa8: {  	s5 =	sshll.u32 s28, $0x1;
	[dreg:$0x2] =	wrdreg s3  }
0xa9: {  	[dreg:$0x3] =	wrdreg s5  }
0xaa: {  	[dreg:$0x4] =	wrdreg $0xC0  }
0xab: {  	_ =	task [dreg:s7], $0x5FFFF  }
0xac: {  	[dreg:$0x1] =	wrdreg $0xFFFFFFFF  }
0xad: {  	[dreg:$0x0] =	wrdreg $0x60  }
0xae: {  	[dreg:$0x2] =	wrdreg s24  }
0xaf: {  	[dreg:$0x3] =	wrdreg s2  }
0xb0: {  	[dreg:$0x4] =	wrdreg $0x62200  }
0xb1: {  	[dreg:$0x5] =	wrdreg $0xB2200  }
0xb2: {  	[dreg:$0x6] =	wrdreg $0x9  }
0xb3: {  	_ =	task.clear_ibuf [dreg:s7], $0x7FFFF;
	_ =	strace $0x9000004C  }
0xb4: {  	s29 =	simm.s32 $0x9;
	_ =	strace $0x8000004E  }
0xb5: {  	_ =	swait.ge [sflag:s29], $0x1  }
0xb6: {  	[sflag:s29] =	ssyncadd.s32 $0xFFFFFFFF  }
0xb7: {  	_ =	strace $0x9000004E  }
0xb8: {  	_ =	sfence  }
0xb9: {  	s30 =	sld [smem:$0x0];
	_ =	sdelay $0x2  }
0xba: {  	s31 =	sshll.u32 s1, $0xD;
	s1 =	sshrl.u32 s1, $0x2  }
0xbb: {  	s3 =	sand.u32 $0x4000, s31;
	s1 =	sadd.s32 s1, s30  }
0xbc: {  	s0 =	sor.u32 s3, s0;
	s1 =	sshll.u32 s1, $0x11  }
0xbd: {  	s0 =	sor.u32 s1, s0  }
0xbe: {  	s0 =	sadd.s32 $0x8F2B, s0  }
0xbf: {  	[sflag:s0] =	ssyncadd.remote.s32 $0x1  }
0xc0: {  	_ =	sfence.sel $0xFFFF  }
0xc1: {  	[dreg:$0x0] =	wrdreg $0xFFFFFFFF;
	(pc) =	sbr.abs _section_cstart, $3  }
0xc2: {  	[dreg:$0x1] =	wrdreg $0xFFFFFFFF  }
0xc3: {  	_ =	task.clear_ibuf [dreg:s7], $0x2FFFF;
	_ =	strace $0x9FFFFFFF  }
0xc4: {  	(tm) =	ssettm $0x7FFFFFFF  }
0xc5: {  	_ =	shalt  }
tec
execute0_lowered:
.L_overlay_start_1:
0x0: {  	(tag) =	ssettag $0x1  }
0x1: {  	s5 =	rddreg [dreg:$0x0]  }
0x2: {  	s8 =	rddreg [dreg:$0x1]  }
0x3: {  	s2 =	rddreg [dreg:$0x2]  }
0x4: {  	s3 =	rddreg [dreg:$0x3]  }
0x5: {  	s0 =	rddreg [dreg:$0x4];
	s1 =	stileid.u32  }
0x6: {  	s6 =	srdreg.scid;
	s4 =	simm.s32 $0x0;
	s17 =	simm.s32 $0x1  }
0x7: {  	s18 =	simm.s32 $0x5820;
	s19 =	simm.s32 $0x2;
	s20 =	simm.s32 $0x4DD0  }
0x8: {  	s6 =	sand.u32 $0x1, s6;
	s7 =	sshll.u32 s1, $0x1;
	[smem:$0x7FF] =	sst s4  }
0x9: {  	s9 =	smul.u32 $0x5000, s1;
	s31 =	sshll.u32 s1, $0x6;
	s7 =	sor.u32 s6, s7  }
0xa: {  	_ =	strace $0x8000004D;
	s30 =	smul.u32 $0xA000, s6;
	s6 =	ssub.s32 $0x2, s6  }
0xb: {  	s10 =	smul.u32 $0x4E2, s7;
	s21 =	sshrl.u32 s9, $0x3;
	s13 =	sshrl.u32 s6, $0x1  }
0xc: {  	s15 =	sadd.s32 s9, s2;
	s16 =	sadd.s32 s9, s3;
	s11 =	sadd.s32 s21, s5  }
0xd: {  	s14 =	sadd.s32 s30, s5;
	s13 =	ssub.s32 s6, s13;
	s6 =	sor.u32 $0x1C03, s31  }
0xe: {  	s12 =	sadd.s32 s10, s5;
	s5 =	sadd.s32 $0x15E00, s11;
	s7 =	sadd.s32 $0xBE00, s11  }
0xf: {  	s8 =	sadd.s32 s8, s10;
	s22 =	sadd.s32 $0x1FE00, s14;
	s10 =	smax.u32 s13, $0x1  }
0x10: {  	s11 =	sshrl.u32 s15, $0x3;
	s13 =	sshrl.u32 s16, $0x3;
	s14 =	simm.s32 $0x2710  }
0x11: {  	s15 =	simm.s32 $0x50;
	s16 =	simm.s32 $0x4E20;
	s9 =	sadd.s32 $0x2000, s12  }
0x12: {  	s12 =	simm.s32 $0x3;
	s21 =	sadd.s32 s21, s22;
	s22 =	simm.s32 $0x0  }
.LBB2_1:
0x13: {  	[spmem:s11], [sflag:s6] =	dma.local [hbm:s5], $0xA00  }
0x14: {  	_ =	swait.ge [sflag:s12], $0xA00  }
0x15: {  	[sflag:s12] =	ssyncset.done $0x0  }
0x16: {  	[sflag:s12] =	ssyncadd.s32 $0xFFFFF600  }
0x17: {  	[spmem:s13], [sflag:s6] =	dma.local [hbm:s7], $0xA00  }
0x18: {  	_ =	swait.ge [sflag:s12], $0xA00  }
0x19: {  	[sflag:s12] =	ssyncset.done $0x0  }
0x1a: {  	[sflag:s12] =	ssyncadd.s32 $0xFFFFF600  }
0x1b: {  	[tilespmem:s4], [sflag:$0x3] =	stream.linear.gather [hbm4b:s8+s4], $0x2710, $0x38;
	[tilespmem:$0x10220] =	vst v63  }
0x1c: {  	_ =	swait.ge [sflag:s12], $0x2710  }
0x1d: {  	[sflag:s12] =	ssyncset.done $0x0  }
0x1e: {  	[sflag:s12] =	ssyncadd.s32 $0xFFFFD8F0  }
0x1f: {  	[tilespmem:s14], [sflag:$0x3] =	stream.linear.gather [hbm4b:s9+s4], $0x2710, $0x38;
	[tilespmem:$0x10220] =	vst v63  }
0x20: {  	_ =	swait.ge [sflag:s12], $0x2710  }
0x21: {  	[sflag:s12] =	ssyncset.done $0x0  }
0x22: {  	[sflag:s12] =	ssyncadd.s32 $0xFFFFD8F0  }
0x23: {  	[bflag:$0x0] =	sbarrier.arrive $0xFFFF  }
0x24: {  	[tilespmem:s16], [sflag:$0x1] =	stream.indirect.gather [spmem:s3], $0x20, s4, s15, $0xb8;
	[tilespmem:$0x10220] =	vst v63  }
0x25: {  	_ =	swait.ge [sflag:s17], $0xA00  }
0x26: {  	[sflag:s17] =	ssyncset.done $0x0  }
0x27: {  	s23 =	simm.s32 $0x50;
	[sflag:s17] =	ssyncadd.s32 $0xFFFFF600  }
0x28: {  	[tilespmem:s18], [sflag:$0x2] =	stream.indirect.gather [spmem:s3], $0x20, s23, s15, $0xb8;
	[tilespmem:$0x10220] =	vst v63  }
0x29: {  	s29 =	simm.s32 $0x2710  }
0x2a: {  	[spmem:s2] =	stream.indirect.scatter.add.f32 [tilespmem:s16], [sflag:$0x3], $0x20, s29, s15, $0xb8;
	[tilespmem:$0x10220] =	vst v63  }
0x2b: {  	_ =	swait.ge [sflag:s12], $0xA00  }
0x2c: {  	[sflag:s12] =	ssyncset.done $0x0  }
0x2d: {  	[sflag:s12] =	ssyncadd.s32 $0xFFFFF600  }
0x2e: {  	_ =	swait.ge [sflag:s19], $0xA00  }
0x2f: {  	[sflag:s19] =	ssyncset.done $0x0  }
0x30: {  	s30 =	simm.s32 $0xA0;
	[sflag:s19] =	ssyncadd.s32 $0xFFFFF600  }
0x31: {  	[tilespmem:s16], [sflag:$0x1] =	stream.indirect.gather [spmem:s3], $0x20, s30, s15, $0xb8;
	[tilespmem:$0x10220] =	vst v63  }
0x32: {  	s31 =	simm.s32 $0x2760  }
0x33: {  	[spmem:s2] =	stream.indirect.scatter.add.f32 [tilespmem:s18], [sflag:$0x3], $0x20, s31, s15, $0xb8;
	[tilespmem:$0x10220] =	vst v63  }
0x34: {  	_ =	swait.ge [sflag:s12], $0xA00  }
0x35: {  	s23 =	simm.s32 $0x280;
	[sflag:s12] =	ssyncset.done $0x0  }
.LBB2_2:
0x36: {  	p0 =	sne.s32 s23, $0x9880  }
0x37: {  	[sflag:s12] =	ssyncadd.s32 $0xFFFFF600;
	s24 =	smov.u32 s23;
	s23 =	sadd.s32 $0x280, s23  }
0x38: {  	_ = 	snop  }
0x39: {  	_ =	swait.ge [sflag:s17], $0xA00  }
0x3a: {  	s24 =	sshra.s32 s24, $0x2;
	[sflag:s17] =	ssyncset.done $0x0  }
0x3b: {  	s25 =	sadd.s32 $0x50, s24;
	[sflag:s17] =	ssyncadd.s32 $0xFFFFF600  }
0x3c: {  	[tilespmem:s18], [sflag:$0x2] =	stream.indirect.gather [spmem:s3], $0x20, s25, s15, $0xb8;
	[tilespmem:$0x10220] =	vst v63  }
0x3d: {  	s25 =	sadd.s32 $0x2710, s24  }
0x3e: {  	[spmem:s2] =	stream.indirect.scatter.add.f32 [tilespmem:s16], [sflag:$0x3], $0x20, s25, s15, $0xb8;
	[tilespmem:$0x10220] =	vst v63  }
0x3f: {  	_ =	swait.ge [sflag:s12], $0xA00  }
0x40: {  	[sflag:s12] =	ssyncset.done $0x0  }
0x41: {  	[sflag:s12] =	ssyncadd.s32 $0xFFFFF600  }
0x42: {  	_ =	swait.ge [sflag:s19], $0xA00  }
0x43: {  	[sflag:s19] =	ssyncset.done $0x0  }
0x44: {  	s25 =	sadd.s32 $0xA0, s24;
	[sflag:s19] =	ssyncadd.s32 $0xFFFFF600  }
0x45: {  	[tilespmem:s16], [sflag:$0x1] =	stream.indirect.gather [spmem:s3], $0x20, s25, s15, $0xb8;
	[tilespmem:$0x10220] =	vst v63  }
.Ltmp0:
0x46: {  	_ = 	snop;
	(pc) =	sbr.rel @p0 .LBB2_2-.Ltmp0, $4  }
0x47: {  	s24 =	sadd.s32 $0x2760, s24  }
0x48: {  	[spmem:s2] =	stream.indirect.scatter.add.f32 [tilespmem:s18], [sflag:$0x3], $0x20, s24, s15, $0xb8;
	[tilespmem:$0x10220] =	vst v63  }
0x49: {  	_ =	swait.ge [sflag:s12], $0xA00  }
0x4a: {  	[sflag:s12] =	ssyncset.done $0x0  }
0x4b: {  	[sflag:s12] =	ssyncadd.s32 $0xFFFFF600  }
0x4c: {  	_ =	swait.ge [sflag:s17], $0xA00  }
0x4d: {  	[sflag:s17] =	ssyncset.done $0x0  }
0x4e: {  	[sflag:s17] =	ssyncadd.s32 $0xFFFFF600  }
0x4f: {  	[spmem:s2] =	stream.indirect.scatter.add.f32 [tilespmem:s16], [sflag:$0x3], $0x20, s20, s15, $0xb8;
	[tilespmem:$0x10220] =	vst v63  }
0x50: {  	_ =	swait.ge [sflag:s12], $0xA00  }
0x51: {  	s22 =	sadd.s32 $0x1, s22;
	[sflag:s12] =	ssyncset.done $0x0  }
0x52: {  	p0 =	sne.s32 s22, s10;
	[sflag:s12] =	ssyncadd.s32 $0xFFFFF600  }
.Ltmp1:
0x53: {  	[bflag:$0x0] =	sbarrier.arrive $0xFFFF;
	(pc) =	sbr.rel @p0 .LBB2_1-.Ltmp1, $4  }
0x54: {  	[hbm:s21], [sflag:s6] =	dma.local [spmem:s11], $0xA00  }
0x55: {  	_ =	swait.ge [sflag:s12], $0xA00  }
0x56: {  	[sflag:s12] =	ssyncset.done $0x0  }
0x57: {  	[sflag:s12] =	ssyncadd.s32 $0xFFFFF600  }
0x58: {  	_ =	sfence.sel $0x180000  }
0x59: {  	[bflag:$0x0] =	sbarrier.arrive $0xFFFF  }
0x5a: {  	p0 =	sne.s32 s1, $0x0;
	_ =	strace $0x9000004D  }
0x5b: {  	s0 =	sadd.s32 @!p0 $0x100000, s0;
	[bflag:$0x2] =	sbarrier.arrive $0xFFFF  }
0x5c: {  	[sflag:s0] =	ssyncadd.tile.s32 @!p0 $0x1;
	_ =	shalt  }
.Lfunc_end2:
_tile_overlayer_lowered:
.L_overlay_start_2:
0x5d: {  	(tag) =	ssettag $0x2  }
0x5e: {  	s0 =	rddreg [dreg:$0x0];
	s2 =	stileid.u32  }
0x5f: {  	s1 =	rddreg [dreg:$0x1];
	p0 =	sne.s32 s2, $0x0  }
0x60: {  	s3 =	rddreg [dreg:$0x2];
	[bflag:$0x3] =	sbarrier.arrive $0xFFFF;
	s2 =	simm.s32 @!p0 $0x1C03  }
0x61: {  	[timem:s3], [sflag:s2] =	dma.local @!p0 [hbm:s0], s1  }
0x62: {  	s0 =	simm.s32 @!p0 $0x3  }
0x63: {  	_ =	swait.ge @!p0 [sflag:s0], s1  }
0x64: {  	s1 =	ssub.s32 @!p0 $0x0, s1;
	[sflag:s0] =	ssyncset.done @!p0 $0x0  }
0x65: {  	[sflag:s0] =	ssyncadd.s32 @!p0 s1  }
0x66: {  	[bflag:$0x3] =	sbarrier.arrive $0xFFFF  }
0x67: {  	_ =	shalt  }

// kernel: kernel.9.cloned.1.call-start
scs
__scs_entry_jumppad:
0x0: {  	(pc) =	sbr.rel $0x88, $3  }
0x1: {  	(tag) =	ssettag $0x0;
	lr =	simm.s32 $0x1  }
0x2: {  	[smem:$0x3F9B] =	sst lr;
	_ =	strace $0xD0000000  }
0x3: {  	_ = 	snop  }
0x4: {  	_ = 	snop  }
0x5: {  	_ = 	snop  }
0x6: {  	_ = 	snop  }
0x7: {  	_ = 	snop  }
__scs_overlays_trampoline_lowered:
0x8: {  	[smem:$0x3FAA] =	sst s0  }
0x9: {  	[smem:$0x3FAB] =	sst s1  }
0xa: {  	[smem:$0x3FAC] =	sst s2  }
0xb: {  	[smem:$0x3FAD] =	sst s3  }
0xc: {  	[smem:$0x3FAE] =	sst s4  }
0xd: {  	[smem:$0x3FAF] =	sst s5  }
0xe: {  	[smem:$0x3FB0] =	sst s6  }
0xf: {  	[smem:$0x3FB1] =	sst s7  }
0x10: {  	[smem:$0x3FB2] =	sst s8  }
0x11: {  	[smem:$0x3FB3] =	sst s9;
	s0 =	simm.s32 @!p0 $0x0  }
0x12: {  	s1 =	sld [smem:$0x3F99];
	s0 =	simm.s32 @p0 $0x1  }
0x13: {  	[smem:$0x3FB4] =	sst s0;
	s0 =	simm.s32 @!p1 $0x0  }
0x14: {  	s2 =	sld [smem:$0x3F98];
	s0 =	simm.s32 @p1 $0x1  }
0x15: {  	[smem:$0x3FB5] =	sst s0;
	s0 =	simm.s32 @!p2 $0x0  }
0x16: {  	s3 =	sld [smem:$0x3FDB];
	s0 =	simm.s32 @p2 $0x1  }
0x17: {  	s4 =	simm.s32 $0x1BF5;
	[smem:$0x3FB7] =	sst s0  }
0x18: {  	s0 =	sld [smem:$0x3F9A];
	_ =	swait.ge [sflag:s4], $0x0  }
0x19: {  	s7 =	sld [smem:$0x3F9B]  }
0x1a: {  	s8 =	sadd.s32 $0xFFFFE003, lr  }
0x1b: {  	s9 =	sadd.s32 $0xFFFFFEF7, lr;
	s5 =	simm.s32 $0xFFFFFFFF;
	p2 =	slt.u32 s8, $0xFFFFF086  }
0x1c: {  	p1 =	slt.u32 s9, $0xF7A;
	s5 =	simm.s32 @!p2 $0x0  }
0x1d: {  	s5 =	simm.s32 @p1 $0x1;
	p0 =	seq.s32 s7, s2  }
0x1e: {  	s7 =	smul.u32 @!p0 $0xF7A, s2;
	p2 =	seq.s32 @!p0 s5, $0x0  }
0x1f: {  	s9 =	smul.u32 $0xF7A, s1;
	s8 =	simm.s32 @!p0 $0x1BF5;
	p2 =	por !p2, p0  }
0x20: {  	[sflag:s8] =	ssyncset.s32 @!p0 $0xFFFFF086;
	s6 =	sadd.s32 @!p0 s3, s7;
	s7 =	simm.s32 @!p0 $0x108  }
0x21: {  	s3 =	sadd.s32 s3, s9;
	s6 =	sadd.s32 @!p0 $0x88, s6;
	s7 =	simm.s32 @p2 $0x1082  }
0x22: {  	[simem:s7], [sflag:s8] =	dma.local @!p0 [hbm:s6], $0xF7A  }
0x23: {  	s9 =	sor.u32 $0xD0000000, s2;
	s6 =	simm.s32 $0x108;
	_ =	swait.ge @!p0 [sflag:s8], $0x0  }
0x24: {  	s3 =	sadd.s32 $0x88, s3;
	s6 =	simm.s32 @!p1 $0x1082;
	[sflag:s4] =	ssyncset.s32 $0xFFFFF086  }
0x25: {  	[simem:s6], [sflag:s4] =	dma.local [hbm:s3], $0xF7A  }
0x26: {  	[smem:$0x3F9B] =	sst s1;
	(tag) =	ssettag s2;
	_ =	strace s9  }
0x27: {  	s1 =	sld [smem:$0x3FAB]  }
0x28: {  	s2 =	sld [smem:$0x3FAC]  }
0x29: {  	s4 =	sld [smem:$0x3FAE]  }
0x2a: {  	p0 =	seq.s32 s5, $0x0;
	s5 =	sld [smem:$0x3FAF]  }
0x2b: {  	s6 =	sld [smem:$0x3FB0]  }
0x2c: {  	s7 =	sld [smem:$0x3FB1]  }
0x2d: {  	s3 =	simm.s32 $0x108;
	s8 =	sld [smem:$0x3FB2]  }
0x2e: {  	s3 =	simm.s32 @!p0 $0x1082;
	s9 =	sld [smem:$0x3FB3]  }
0x2f: {  	lr =	sadd.s32 s0, s3;
	s0 =	sld [smem:$0x3FAA]  }
0x30: {  	s3 =	sld [smem:$0x3FAD]  }
0x31: {  	[smem:$0x3FB6] =	sst s10  }
0x32: {  	s10 =	sld [smem:$0x3FB4];
	_ =	sdelay $0x3  }
0x33: {  	p0 =	seq.s32 s10, $0x1;
	s10 =	sld [smem:$0x3FB6];
	_ =	sdelay $0x3  }
0x34: {  	[smem:$0x3FB6] =	sst s10  }
0x35: {  	s10 =	sld [smem:$0x3FB5];
	_ =	sdelay $0x3  }
0x36: {  	p1 =	seq.s32 s10, $0x1;
	s10 =	sld [smem:$0x3FB6];
	_ =	sdelay $0x3  }
0x37: {  	[smem:$0x3FB6] =	sst s10  }
0x38: {  	s10 =	sld [smem:$0x3FB7]  }
0x39: {  	_ = 	snop;
	(pc) =	sbr.ind lr, $3  }
0x3a: {  	_ = 	snop  }
0x3b: {  	_ = 	snop  }
0x3c: {  	p2 =	seq.s32 s10, $0x1;
	s10 =	sld [smem:$0x3FB6]  }
0x3d: {  	_ =	shalt  }
0x3e: {  	_ =	shalt  }
0x3f: {  	_ =	shalt  }
0x40: {  	_ =	shalt  }
0x41: {  	_ =	shalt  }
0x42: {  	_ =	shalt  }
0x43: {  	_ =	shalt  }
0x44: {  	_ =	shalt  }
0x45: {  	_ =	shalt  }
0x46: {  	_ =	shalt  }
0x47: {  	_ =	shalt  }
0x48: {  	_ =	shalt  }
0x49: {  	_ =	shalt  }
0x4a: {  	_ =	shalt  }
0x4b: {  	_ =	shalt  }
0x4c: {  	_ =	shalt  }
0x4d: {  	_ =	shalt  }
0x4e: {  	_ =	shalt  }
0x4f: {  	_ =	shalt  }
0x50: {  	_ =	shalt  }
0x51: {  	_ =	shalt  }
0x52: {  	_ =	shalt  }
0x53: {  	_ =	shalt  }
0x54: {  	_ =	shalt  }
0x55: {  	_ =	shalt  }
0x56: {  	_ =	shalt  }
0x57: {  	_ =	shalt  }
0x58: {  	_ =	shalt  }
0x59: {  	_ =	shalt  }
0x5a: {  	_ =	shalt  }
0x5b: {  	_ =	shalt  }
0x5c: {  	_ =	shalt  }
0x5d: {  	_ =	shalt  }
0x5e: {  	_ =	shalt  }
0x5f: {  	_ =	shalt  }
0x60: {  	_ =	shalt  }
0x61: {  	_ =	shalt  }
0x62: {  	_ =	shalt  }
0x63: {  	_ =	shalt  }
0x64: {  	_ =	shalt  }
0x65: {  	_ =	shalt  }
0x66: {  	_ =	shalt  }
0x67: {  	_ =	shalt  }
0x68: {  	_ =	shalt  }
0x69: {  	_ =	shalt  }
0x6a: {  	_ =	shalt  }
0x6b: {  	_ =	shalt  }
0x6c: {  	_ =	shalt  }
0x6d: {  	_ =	shalt  }
0x6e: {  	_ =	shalt  }
0x6f: {  	_ =	shalt  }
0x70: {  	_ =	shalt  }
0x71: {  	_ =	shalt  }
0x72: {  	_ =	shalt  }
0x73: {  	_ =	shalt  }
0x74: {  	_ =	shalt  }
0x75: {  	_ =	shalt  }
0x76: {  	_ =	shalt  }
0x77: {  	_ =	shalt  }
0x78: {  	_ =	shalt  }
0x79: {  	_ =	shalt  }
0x7a: {  	_ =	shalt  }
0x7b: {  	_ =	shalt  }
0x7c: {  	_ =	shalt  }
0x7d: {  	_ =	shalt  }
0x7e: {  	_ =	shalt  }
0x7f: {  	_ =	shalt  }
0x80: {  	_ =	shalt  }
0x81: {  	_ =	shalt  }
0x82: {  	_ =	shalt  }
0x83: {  	_ =	shalt  }
0x84: {  	_ =	shalt  }
0x85: {  	_ =	shalt  }
0x86: {  	_ =	shalt  }
0x87: {  	_ =	shalt  }
.Lfunc_end0:
.L_simem_size_0:
called_computation_lowered:
.L_overlay_start_0:
0x88: {  	s2 =	sld [smem:$0x3FD9]  }
0x89: {  	s3 =	sld [smem:$0x3FFE];
	_ =	sdelay $0x1  }
0x8a: {  	s1 =	srdreg.scid  }
0x8b: {  	s0 =	sand.u32 $0x1, s1  }
0x8c: {  	s16 =	sshll.u32 s0, $0xA;
	s2 =	sadd.s32 s3, s2  }
0x8d: {  	s2 =	sadd.s32 s2, s16  }
0x8e: {  	[smem:$0x3FC2] =	sst s2  }
0x8f: {  	_ = 	snop  }
0x90: {  	(tm) =	ssettm $0x1  }
0x91: {  	s17 =	sld [smem:$0x3FFB];
	_ =	sdelay $0x3  }
0x92: {  	_ =	strace s17  }
0x93: {  	s2 =	sld [smem:$0x3FFC];
	_ =	sdelay $0x3  }
0x94: {  	_ =	strace s2  }
0x95: {  	s2 =	sld [smem:$0x3FFD];
	_ =	sdelay $0x3  }
0x96: {  	_ =	strace s2  }
0x97: {  	_ =	strace $0x8FFFFFFF  }
0x98: {  	s18 =	sld [smem:$0x3FDB];
	_ =	sdelay $0x1  }
0x99: {  	s19 =	simm.s32 $_scs_section_size  }
0x9a: {  	s4 =	simm.s32 $_size__tile_overlayer_lowered;
	s5 =	simm.s32 $_tile_overlayer_lowered  }
0x9b: {  	s22 =	simm.s32 $0x1BFF;
	s21 =	sshll.u32 s5, $0x1;
	s2 =	sadd.s32 s19, s18  }
0x9c: {  	s6 =	simm.s32 $0x0;
	s20 =	sshll.u32 s4, $0x1;
	s4 =	sadd.s32 s21, s2  }
0x9d: {  	[timem:s6], [sflag:s22] =	dma.local [hbm:s4], s20  }
0x9e: {  	_ =	swait.ge [sflag:s22], s20  }
0x9f: {  	s3 =	ssub.s32 $0x0, s20;
	[sflag:s22] =	ssyncset.done $0x0  }
0xa0: {  	[sflag:s22] =	ssyncadd.s32 s3;
	_ =	sdelay $0x1  }
0xa1: {  	s23 =	simm.s32 $0x1B8B  }
0xa2: {  	_ =	swait.ge [sflag:s23], $0x1  }
0xa3: {  	[sflag:s23] =	ssyncset.done $0x0  }
0xa4: {  	s25 =	simm.s32 $0x1B8E;
	s24 =	sld [smem:$0x3FFE];
	[sflag:s23] =	ssyncadd.s32 $0xFFFFFFFF  }
0xa5: {  	s26 =	simm.s32 $execute0_lowered;
	[smem:$0x3FD2] =	sst s25  }
0xa6: {  	s4 =	sshll.u32 s26, $0x1;
	_ =	strace $0x80000046;
	[dreg:$0x1] =	wrdreg $0xFFFFFFFF  }
0xa7: {  	s28 =	simm.s32 $_size_execute0_lowered;
	s2 =	sadd.s32 s2, s4;
	[dreg:$0x0] =	wrdreg $0x0  }
0xa8: {  	s4 =	sshll.u32 s28, $0x1;
	[dreg:$0x2] =	wrdreg s2  }
0xa9: {  	[dreg:$0x3] =	wrdreg s4  }
0xaa: {  	[dreg:$0x4] =	wrdreg $0xC0  }
0xab: {  	_ =	task [dreg:s6], $0x5FFFF  }
0xac: {  	[dreg:$0x1] =	wrdreg $0xFFFFFFFF  }
0xad: {  	[dreg:$0x0] =	wrdreg $0x60  }
0xae: {  	[dreg:$0x2] =	wrdreg s24  }
0xaf: {  	[dreg:$0x3] =	wrdreg $0x27600  }
0xb0: {  	[dreg:$0x4] =	wrdreg $0x9  }
0xb1: {  	_ =	task.clear_ibuf [dreg:s6], $0x5FFFF;
	_ =	strace $0x90000046  }
0xb2: {  	s29 =	simm.s32 $0x9;
	_ =	strace $0x80000048  }
0xb3: {  	_ =	swait.ge [sflag:s29], $0x1  }
0xb4: {  	[sflag:s29] =	ssyncadd.s32 $0xFFFFFFFF  }
0xb5: {  	_ =	strace $0x90000048  }
0xb6: {  	_ =	sfence  }
0xb7: {  	s30 =	sld [smem:$0x0];
	_ =	sdelay $0x2  }
0xb8: {  	s31 =	sshll.u32 s1, $0xD;
	s1 =	sshrl.u32 s1, $0x2  }
0xb9: {  	s3 =	sand.u32 $0x4000, s31;
	s1 =	sadd.s32 s1, s30  }
0xba: {  	s0 =	sor.u32 s3, s0;
	s1 =	sshll.u32 s1, $0x11  }
0xbb: {  	s0 =	sor.u32 s1, s0  }
0xbc: {  	s0 =	sadd.s32 $0x8F2B, s0  }
0xbd: {  	[sflag:s0] =	ssyncadd.remote.s32 $0x1  }
0xbe: {  	_ =	sfence.sel $0xFFFF  }
0xbf: {  	[dreg:$0x0] =	wrdreg $0xFFFFFFFF;
	(pc) =	sbr.abs _section_cstart, $3  }
0xc0: {  	[dreg:$0x1] =	wrdreg $0xFFFFFFFF  }
0xc1: {  	_ =	task.clear_ibuf [dreg:s6], $0x2FFFF;
	_ =	strace $0x9FFFFFFF  }
0xc2: {  	(tm) =	ssettm $0x7FFFFFFF  }
0xc3: {  	_ =	shalt  }
tec
execute0_lowered:
.L_overlay_start_1:
0x0: {  	(tag) =	ssettag $0x1  }
0x1: {  	s1 =	srdreg.scid;
	s4 =	rddreg [dreg:$0x0]  }
0x2: {  	s0 =	stileid.u32;
	s2 =	rddreg [dreg:$0x1];
	s3 =	simm.s32 $0x0  }
0x3: {  	s12 =	simm.s32 $0x1;
	s5 =	sand.u32 $0x1, s1;
	s1 =	rddreg [dreg:$0x2]  }
0x4: {  	s29 =	sshll.u32 s0, $0x1;
	[smem:$0x7FF] =	sst s3;
	s7 =	smul.u32 $0x280, s0  }
0x5: {  	s31 =	sshll.u32 s0, $0x6;
	s6 =	sor.u32 s5, s29;
	s8 =	smul.u32 $0x500, s5  }
0x6: {  	_ =	strace $0x80000047;
	s5 =	ssub.s32 $0x2, s5;
	s6 =	smul.u32 $0x4E2, s6  }
0x7: {  	s13 =	sshrl.u32 s7, $0x3;
	s30 =	sshrl.u32 s5, $0x1;
	s11 =	sadd.s32 s7, s2  }
0x8: {  	s9 =	sadd.s32 s13, s4;
	s8 =	sadd.s32 s8, s4;
	s10 =	ssub.s32 s5, s30  }
0x9: {  	s5 =	sor.u32 $0x1C02, s31;
	s6 =	sadd.s32 s6, s4;
	s4 =	sadd.s32 $0xBE00, s9  }
0xa: {  	s14 =	sadd.s32 $0xC400, s8;
	s7 =	smax.u32 s10, $0x1;
	s8 =	sshrl.u32 s11, $0x3  }
0xb: {  	s9 =	simm.s32 $0x2;
	s10 =	simm.s32 $0x50;
	s11 =	simm.s32 $0x2710  }
0xc: {  	v0 =	vimm.f32 $1.000000000e+00;
	s6 =	sadd.s32 $0x2000, s6;
	s13 =	sadd.s32 s13, s14;
	s14 =	simm.s32 $0x0  }
.LBB2_1:
0xd: {  	[spmem:s8], [sflag:s5] =	dma.local [hbm:s4], $0x50  }
0xe: {  	_ =	swait.ge [sflag:s9], $0x50  }
0xf: {  	[sflag:s9] =	ssyncset.done $0x0  }
0x10: {  	[sflag:s9] =	ssyncadd.s32 $0xFFFFFFB0  }
0x11: {  	[tilespmem:$0x2710] =	vst v0  }
0x12: {  	[tilespmem:$0x2720] =	vst v0  }
0x13: {  	[tilespmem:$0x2730] =	vst v0  }
0x14: {  	[tilespmem:$0x2740] =	vst v0  }
0x15: {  	[tilespmem:$0x2750] =	vst v0  }
0x16: {  	[tilespmem:s3], [sflag:$0x2] =	stream.linear.gather [hbm4b:s6+s3], $0x2710, $0x38;
	[tilespmem:$0x29E0] =	vst v63  }
0x17: {  	_ =	swait.ge [sflag:s9], $0x2710  }
0x18: {  	[sflag:s9] =	ssyncset.done $0x0  }
0x19: {  	[sflag:s9] =	ssyncadd.s32 $0xFFFFD8F0  }
0x1a: {  	[bflag:$0x0] =	sbarrier.arrive $0xFFFF  }
0x1b: {  	[spmem:s2] =	stream.indirect.scatter.add.f32 [tilespmem:s11], [sflag:$0x1], $0x1, s3, s10, $0xb8;
	[tilespmem:$0x29E0] =	vst v63  }
0x1c: {  	s15 =	simm.s32 $0x50  }
0x1d: {  	[spmem:s2] =	stream.indirect.scatter.add.f32 [tilespmem:s11], [sflag:$0x1], $0x1, s15, s10, $0xb8;
	[tilespmem:$0x29E0] =	vst v63  }
0x1e: {  	_ =	swait.ge [sflag:s12], $0x50  }
0x1f: {  	s15 =	simm.s32 $0x280;
	[sflag:s12] =	ssyncset.done $0x0  }
.LBB2_2:
0x20: {  	s16 =	sshra.s32 s15, $0x2;
	[sflag:s12] =	ssyncadd.s32 $0xFFFFFFB0;
	p0 =	sne.s32 s15, $0x9B00  }
0x21: {  	[spmem:s2] =	stream.indirect.scatter.add.f32 [tilespmem:s11], [sflag:$0x1], $0x1, s16, s10, $0xb8;
	[tilespmem:$0x29E0] =	vst v63  }
.Ltmp0:
0x22: {  	_ = 	snop;
	(pc) =	sbr.rel @p0 .LBB2_2-.Ltmp0, $4  }
0x23: {  	_ = 	snop  }
0x24: {  	s15 =	sadd.s32 $0x140, s15  }
0x25: {  	_ =	swait.ge [sflag:s12], $0x50  }
0x26: {  	[sflag:s12] =	ssyncset.done $0x0  }
0x27: {  	[sflag:s12] =	ssyncadd.s32 $0xFFFFFFB0  }
0x28: {  	_ =	swait.ge [sflag:s12], $0x50  }
0x29: {  	s14 =	sadd.s32 $0x1, s14;
	[sflag:s12] =	ssyncset.done $0x0  }
0x2a: {  	p0 =	sne.s32 s14, s7;
	[sflag:s12] =	ssyncadd.s32 $0xFFFFFFB0  }
.Ltmp1:
0x2b: {  	[bflag:$0x0] =	sbarrier.arrive $0xFFFF;
	(pc) =	sbr.rel @p0 .LBB2_1-.Ltmp1, $4  }
0x2c: {  	[hbm:s13], [sflag:s5] =	dma.local [spmem:s8], $0x50  }
0x2d: {  	_ =	swait.ge [sflag:s9], $0x50  }
0x2e: {  	[sflag:s9] =	ssyncset.done $0x0  }
0x2f: {  	[sflag:s9] =	ssyncadd.s32 $0xFFFFFFB0  }
0x30: {  	_ =	sfence.sel $0x180000  }
0x31: {  	[bflag:$0x0] =	sbarrier.arrive $0xFFFF  }
0x32: {  	p0 =	sne.s32 s0, $0x0;
	_ =	strace $0x90000047  }
0x33: {  	s0 =	sadd.s32 @!p0 $0x100000, s1;
	[bflag:$0x2] =	sbarrier.arrive $0xFFFF  }
0x34: {  	[sflag:s0] =	ssyncadd.tile.s32 @!p0 $0x1;
	_ =	shalt  }
.Lfunc_end2:
_tile_overlayer_lowered:
.L_overlay_start_2:
0x35: {  	(tag) =	ssettag $0x2  }
0x36: {  	s0 =	rddreg [dreg:$0x0];
	s2 =	stileid.u32  }
0x37: {  	s1 =	rddreg [dreg:$0x1];
	p0 =	sne.s32 s2, $0x0  }
0x38: {  	s3 =	rddreg [dreg:$0x2];
	[bflag:$0x3] =	sbarrier.arrive $0xFFFF;
	s2 =	simm.s32 @!p0 $0x1C02  }
0x39: {  	[timem:s3], [sflag:s2] =	dma.local @!p0 [hbm:s0], s1  }
0x3a: {  	s0 =	simm.s32 @!p0 $0x2  }
0x3b: {  	_ =	swait.ge @!p0 [sflag:s0], s1  }
0x3c: {  	s1 =	ssub.s32 @!p0 $0x0, s1;
	[sflag:s0] =	ssyncset.done @!p0 $0x0  }
0x3d: {  	[sflag:s0] =	ssyncadd.s32 @!p0 s1  }
0x3e: {  	[bflag:$0x3] =	sbarrier.arrive $0xFFFF  }
0x3f: {  	_ =	shalt  }

</sc_bundles>
